<compile_context>
chip_gen: v7x
topology: tpu7x:2x2x1
jax: 0.10.2.dev20260603
libtpu: 0.0.44.dev20260713+nightly
codegen_flags: <defaults>
</compile_context>

<pallas_src>
import functools

import jax
import jax.numpy as jnp
import numpy as np
from jax import lax
from jax.experimental import pallas as pl
from jax.experimental.pallas import tpu as pltpu
from jax.experimental.pallas import tpu_sc as plsc

N = 10000
D = 128
E = 320000
R = E // 128
RPT = 80
PAD_E = 32 * RPT * 128 - E
N_PAD = 10240
NPT = N_PAD // 16

_MESH = plsc.VectorSubcoreMesh(core_axis_name="c", subcore_axis_name="s")

_PAD_SRC = np.arange(PAD_E, dtype=np.int32) % N
_PAD_DST = N + (np.arange(PAD_E, dtype=np.int32) % (N_PAD - N))

_ONESD = np.ones((128, D), np.float32)
_ZEROD = np.zeros((128, D), np.float32)


@functools.partial(
    pl.kernel,
    mesh=_MESH,
    out_type=jax.ShapeDtypeStruct((2, N_PAD, D), jnp.float32),
    scratch_types=[
        pltpu.VMEM((RPT, 128), jnp.int32),
        pltpu.VMEM((128, D), jnp.float32),
        pltpu.VMEM_SHARED((N_PAD, D), jnp.float32),
        pltpu.SemaphoreType.DMA,
    ],
)
def _deg_hist(dst_hbm, ones_hbm, zero_hbm, out_hbm, dbuf, ones, acc, ssem):
    c = lax.axis_index("c")
    s = lax.axis_index("s")
    w = c * 16 + s

    pltpu.sync_copy(ones_hbm, ones)
    r0 = s * NPT
    for q in range(5):
        pltpu.sync_copy(zero_hbm, acc.at[pl.ds(r0 + q * 128, 128), :])

    pltpu.sync_copy(dst_hbm.at[w], dbuf)
    plsc.subcore_barrier()

    def body(i, _):
        @pl.when(i >= 4)
        def _():
            pltpu.make_async_copy(ones, acc.at[dbuf.at[0]], ssem).wait()
        pltpu.async_copy(ones, acc.at[dbuf.at[i]], ssem, add=True)
        return 0
    lax.fori_loop(0, RPT, body, 0)
    for _ in range(4):
        pltpu.make_async_copy(ones, acc.at[dbuf.at[0]], ssem).wait()
    plsc.subcore_barrier()

    pltpu.sync_copy(acc.at[pl.ds(r0, NPT), :], out_hbm.at[c, pl.ds(r0, NPT), :])


@functools.partial(
    pl.kernel,
    mesh=_MESH,
    out_type=jax.ShapeDtypeStruct((2, N_PAD, D), jnp.float32),
    scratch_types=[
        pltpu.VMEM((40, 128), jnp.int32),
        pltpu.VMEM((40, 128), jnp.int32),
        pltpu.VMEM((128, D), jnp.float32),
        pltpu.VMEM((128, D), jnp.float32),
        pltpu.VMEM_SHARED((N_PAD, D), jnp.float32),
        pltpu.SemaphoreType.DMA,
        pltpu.SemaphoreType.DMA,
        pltpu.SemaphoreType.DMA,
        pltpu.SemaphoreType.DMA,
    ],
)
def _edge_pass(h_hbm, src_hbm, dst_hbm, zero_hbm, out_hbm,
               sbuf, dbuf, rows0, rows1, acc, gs0, gs1, ss0, ss1):
    c = lax.axis_index("c")
    s = lax.axis_index("s")
    w = c * 16 + s
    C = 40

    r0 = s * NPT
    for q in range(5):
        pltpu.sync_copy(zero_hbm, acc.at[pl.ds(r0 + q * 128, 128), :])
    plsc.subcore_barrier()

    for p in range(RPT // C):
        pltpu.sync_copy(src_hbm.at[w, pl.ds(p * C, C), :], sbuf)
        pltpu.sync_copy(dst_hbm.at[w, pl.ds(p * C, C), :], dbuf)
        pltpu.async_copy(h_hbm.at[sbuf.at[0]], rows0, gs0)

        def pair(j, _):
            i0 = 2 * j
            i1 = 2 * j + 1
            pltpu.make_async_copy(h_hbm.at[sbuf.at[0]], rows0, gs0).wait()
            pltpu.async_copy(rows0, acc.at[dbuf.at[i0]], ss0, add=True)

            @pl.when(j > 0)
            def _():
                pltpu.make_async_copy(rows1, acc.at[dbuf.at[0]], ss1).wait()
            pltpu.async_copy(h_hbm.at[sbuf.at[i1]], rows1, gs1)
            pltpu.make_async_copy(h_hbm.at[sbuf.at[0]], rows1, gs1).wait()
            pltpu.async_copy(rows1, acc.at[dbuf.at[i1]], ss1, add=True)
            pltpu.make_async_copy(rows0, acc.at[dbuf.at[0]], ss0).wait()
            nxt = jnp.minimum(i0 + 2, C - 1)
            pltpu.async_copy(h_hbm.at[sbuf.at[nxt]], rows0, gs0)
            return 0
        lax.fori_loop(0, C // 2, pair, 0)
        pltpu.make_async_copy(rows1, acc.at[dbuf.at[0]], ss1).wait()
        pltpu.make_async_copy(h_hbm.at[sbuf.at[0]], rows0, gs0).wait()
    plsc.subcore_barrier()

    pltpu.sync_copy(acc.at[pl.ds(r0, NPT), :], out_hbm.at[c, pl.ds(r0, NPT), :])


_BLK = 5000
_GRID = N // _BLK


def _dinv_of(deg2_blk):
    deg = deg2_blk[0, :, 0] + deg2_blk[1, :, 0]
    return jnp.where(deg > 0, 1.0 / jnp.sqrt(jnp.maximum(deg, 1.0)), 0.0)


def _tc1_body(deg2_ref, x_ref, w_ref, o_ref, dinv8_ref):
    dinv = _dinv_of(deg2_ref[...])
    h = jnp.dot(x_ref[...], w_ref[...], preferred_element_type=jnp.float32)
    o_ref[...] = h * dinv[:, None]
    dinv8_ref[...] = jnp.broadcast_to(dinv[:, None], (dinv.shape[0], 8))


def _tc2_body(s2_ref, dinv8_ref, b_ref, w_ref, o_ref):
    dinv = dinv8_ref[:, 0]
    t = s2_ref[0] + s2_ref[1]
    t = jnp.maximum(t * dinv[:, None] + b_ref[...], 0.0)
    h = jnp.dot(t, w_ref[...], preferred_element_type=jnp.float32)
    o_ref[...] = h * dinv[:, None]


def _tc3_body(s2_ref, dinv8_ref, b_ref, o_ref):
    dinv = dinv8_ref[:, 0]
    t = s2_ref[0] + s2_ref[1]
    o_ref[...] = jnp.maximum(t * dinv[:, None] + b_ref[...], 0.0)


_deg_spec = pl.BlockSpec((2, _BLK, D), lambda i: (0, i, 0))
_row_spec = pl.BlockSpec((_BLK, D), lambda i: (i, 0))
_s_spec = pl.BlockSpec((2, _BLK, D), lambda i: (0, i, 0))
_w_spec = pl.BlockSpec((D, D), lambda i: (0, 0))
_b_spec = pl.BlockSpec((1, D), lambda i: (0, 0))
_d8_spec = pl.BlockSpec((_BLK, 8), lambda i: (i, 0))
_out_t = jax.ShapeDtypeStruct((N, D), jnp.float32)
_d8_t = jax.ShapeDtypeStruct((N, 8), jnp.float32)

_tc1 = pl.pallas_call(
    _tc1_body, grid=(_GRID,),
    in_specs=[_deg_spec, _row_spec, _w_spec],
    out_specs=[_row_spec, _d8_spec], out_shape=[_out_t, _d8_t])

_tc2 = pl.pallas_call(
    _tc2_body, grid=(_GRID,),
    in_specs=[_s_spec, _d8_spec, _b_spec, _w_spec],
    out_specs=_row_spec, out_shape=_out_t)

_tc3 = pl.pallas_call(
    _tc3_body, grid=(_GRID,),
    in_specs=[_s_spec, _d8_spec, _b_spec],
    out_specs=_row_spec, out_shape=_out_t)


def kernel(x, edge_index, W1, b1, W2, b2):
    src3d = jnp.concatenate(
        [edge_index[0], jnp.asarray(_PAD_SRC)]).reshape(32, RPT, 128)
    dst3d = jnp.concatenate(
        [edge_index[1], jnp.asarray(_PAD_DST)]).reshape(32, RPT, 128)
    ones_c = jnp.asarray(_ONESD)
    zero_c = jnp.asarray(_ZEROD)
    deg2 = _deg_hist(dst3d, ones_c, zero_c)
    h1, dinv8 = _tc1(deg2, x, W1)
    s1 = _edge_pass(h1, src3d, dst3d, zero_c)
    h2 = _tc2(s1, dinv8, b1.reshape(1, D), W2)
    s2 = _edge_pass(h2, src3d, dst3d, zero_c)
    return _tc3(s2, dinv8, b2.reshape(1, D))

# --- scband reference (transcript-rebuilt; emitter-appended) ---
"""Pipeline reference for scband-encoder-68023692034283 (READ-ONLY COPY).

The authoritative reference and input builder live on the scoring server;
editing this copy changes nothing except your own understanding.
"""

import jax, jax.numpy as jnp
import numpy as np

N = 10000
E = 320000
D = 128
H = 128


def setup_inputs(seed: int = 0) -> dict:
    key = jax.random.key(seed)
    k1, k2, k3, k4, k5, k6 = jax.random.split(key, 6)
    x = jax.random.normal(k1, (N, D), dtype=jnp.float32)
    edge_index = jax.random.randint(k2, (2, E), 0, N)
    W1 = jax.random.normal(k3, (D, H), dtype=jnp.float32) * (1.0 / np.sqrt(D))
    b1 = jnp.zeros((H,), dtype=jnp.float32)
    W2 = jax.random.normal(k4, (H, H), dtype=jnp.float32) * (1.0 / np.sqrt(H))
    b2 = jnp.zeros((H,), dtype=jnp.float32)
    return {"x": x, "edge_index": edge_index, "W1": W1, "b1": b1, "W2": W2, "b2": b2}


def _gcn_layer(x, src, dst, W, b):
    # GCNConv with add_self_loops=False: x' = D^{-1/2} A D^{-1/2} (x W) + b
    h = x @ W
    ones = jnp.ones(src.shape[0], dtype=x.dtype)
    deg = jax.ops.segment_sum(ones, dst, num_segments=N)
    deg_inv_sqrt = jnp.where(deg > 0, 1.0 / jnp.sqrt(jnp.maximum(deg, 1.0)), 0.0)
    norm = deg_inv_sqrt[src] * deg_inv_sqrt[dst]
    msg = h[src] * norm[:, None]
    out = jax.ops.segment_sum(msg, dst, num_segments=N)
    return out + b


def reference(x, edge_index, W1, b1, W2, b2):
    src = edge_index[0]
    dst = edge_index[1]
    h = jax.nn.relu(_gcn_layer(x, src, dst, W1, b1))
    h = jax.nn.relu(_gcn_layer(h, src, dst, W2, b2))
    return h

if __name__ == "__main__":
    import jax
    _d = setup_inputs()
    print(jax.jit(kernel)(*tuple(_d.values())))

</pallas_src>

<mosaic_0001>
#map = affine_map<(d0, d1) -> (0, 0)>
#map1 = affine_map<(d0, d1) -> (0, 0, 0)>
module attributes {stable_mosaic.version = 14 : i64} {
  func.func @_edge_pass(%arg0: i32, %arg1: i32, %arg2: memref<10000x128xf32, #tpu.memory_space<hbm>>, %arg3: memref<32x80x128xi32, #tpu.memory_space<hbm>>, %arg4: memref<32x80x128xi32, #tpu.memory_space<hbm>>, %arg5: memref<128x128xf32, #tpu.memory_space<hbm>>, %arg6: memref<2x10240x128xf32, #tpu.memory_space<hbm>>, %arg7: memref<40x128xi32, #tpu.memory_space<vmem>>, %arg8: memref<40x128xi32, #tpu.memory_space<vmem>>, %arg9: memref<128x128xf32, #tpu.memory_space<vmem>>, %arg10: memref<128x128xf32, #tpu.memory_space<vmem>>, %arg11: memref<10240x128xf32, #tpu.memory_space<vmem_shared>>, %arg12: memref<!tpu.dma_semaphore, #tpu.memory_space<semaphore_mem>>, %arg13: memref<!tpu.dma_semaphore, #tpu.memory_space<semaphore_mem>>, %arg14: memref<!tpu.dma_semaphore, #tpu.memory_space<semaphore_mem>>, %arg15: memref<!tpu.dma_semaphore, #tpu.memory_space<semaphore_mem>>) attributes {dimension_semantics = [#tpu.dimension_semantics<core_parallel>, #tpu.dimension_semantics<subcore_parallel>], iteration_bounds = array<i64: 2, 16>, scalar_prefetch = 0 : i64, scratch_operands = 9 : i64, tpu.core_type = #tpu.core_type<sc_vector_subcore>, window_params = [{transform_indices = #map}, {transform_indices = #map1}, {transform_indices = #map1}, {transform_indices = #map}, {transform_indices = #map1}]} {
    %mul3A = arith.constant 16 : i32
    %mul3A_0 = arith.muli %arg0, %mul3A : i32
    %add3A = arith.addi %mul3A_0, %arg1 : i32
    %mul3A_1 = arith.constant 640 : i32
    %mul3A_2 = arith.muli %arg1, %mul3A_1 : i32
    %add3A_3 = arith.constant 0 : i32
    %add3A_4 = arith.addi %mul3A_2, %add3A_3 : i32
    "tpu.region"() ({
      %run_scoped3A = tpu.sem_alloc : memref<!tpu.dma_semaphore, #tpu.memory_space<semaphore_mem>>
      %dma_start3A_67 = arith.constant 0 : i32
      %dma_start3A_68 = tpu.memref_slice %arg11[%add3A_4, %dma_start3A_67] : memref<10240x128xf32, #tpu.memory_space<vmem_shared>> -> memref<128x128xf32, #tpu.memory_space<vmem_shared>>
      tpu.enqueue_dma source(%arg5 : memref<128x128xf32, #tpu.memory_space<hbm>>) target(%dma_start3A_68 : memref<128x128xf32, #tpu.memory_space<vmem_shared>>) target_semaphore(%run_scoped3A : memref<!tpu.dma_semaphore, #tpu.memory_space<semaphore_mem>>)
      %dma_wait3A_69 = arith.constant 0 : i32
      %dma_wait3A_70 = tpu.memref_slice %arg11[%add3A_4, %dma_wait3A_69] : memref<10240x128xf32, #tpu.memory_space<vmem_shared>> -> memref<128x128xf32, #tpu.memory_space<vmem_shared>>
      tpu.wait_dma2 semaphore(%run_scoped3A : memref<!tpu.dma_semaphore, #tpu.memory_space<semaphore_mem>>) src(%arg5 : memref<128x128xf32, #tpu.memory_space<hbm>>) dst(%dma_wait3A_70 : memref<128x128xf32, #tpu.memory_space<vmem_shared>>)
      tpu.yield
    }) : () -> ()
    %add3A_5 = arith.constant 128 : i32
    %add3A_6 = arith.addi %mul3A_2, %add3A_5 : i32
    "tpu.region"() ({
      %run_scoped3A = tpu.sem_alloc : memref<!tpu.dma_semaphore, #tpu.memory_space<semaphore_mem>>
      %dma_start3A_67 = arith.constant 0 : i32
      %dma_start3A_68 = tpu.memref_slice %arg11[%add3A_6, %dma_start3A_67] : memref<10240x128xf32, #tpu.memory_space<vmem_shared>> -> memref<128x128xf32, #tpu.memory_space<vmem_shared>>
      tpu.enqueue_dma source(%arg5 : memref<128x128xf32, #tpu.memory_space<hbm>>) target(%dma_start3A_68 : memref<128x128xf32, #tpu.memory_space<vmem_shared>>) target_semaphore(%run_scoped3A : memref<!tpu.dma_semaphore, #tpu.memory_space<semaphore_mem>>)
      %dma_wait3A_69 = arith.constant 0 : i32
      %dma_wait3A_70 = tpu.memref_slice %arg11[%add3A_6, %dma_wait3A_69] : memref<10240x128xf32, #tpu.memory_space<vmem_shared>> -> memref<128x128xf32, #tpu.memory_space<vmem_shared>>
      tpu.wait_dma2 semaphore(%run_scoped3A : memref<!tpu.dma_semaphore, #tpu.memory_space<semaphore_mem>>) src(%arg5 : memref<128x128xf32, #tpu.memory_space<hbm>>) dst(%dma_wait3A_70 : memref<128x128xf32, #tpu.memory_space<vmem_shared>>)
      tpu.yield
    }) : () -> ()
    %add3A_7 = arith.constant 256 : i32
    %add3A_8 = arith.addi %mul3A_2, %add3A_7 : i32
    "tpu.region"() ({
      %run_scoped3A = tpu.sem_alloc : memref<!tpu.dma_semaphore, #tpu.memory_space<semaphore_mem>>
      %dma_start3A_67 = arith.constant 0 : i32
      %dma_start3A_68 = tpu.memref_slice %arg11[%add3A_8, %dma_start3A_67] : memref<10240x128xf32, #tpu.memory_space<vmem_shared>> -> memref<128x128xf32, #tpu.memory_space<vmem_shared>>
      tpu.enqueue_dma source(%arg5 : memref<128x128xf32, #tpu.memory_space<hbm>>) target(%dma_start3A_68 : memref<128x128xf32, #tpu.memory_space<vmem_shared>>) target_semaphore(%run_scoped3A : memref<!tpu.dma_semaphore, #tpu.memory_space<semaphore_mem>>)
      %dma_wait3A_69 = arith.constant 0 : i32
      %dma_wait3A_70 = tpu.memref_slice %arg11[%add3A_8, %dma_wait3A_69] : memref<10240x128xf32, #tpu.memory_space<vmem_shared>> -> memref<128x128xf32, #tpu.memory_space<vmem_shared>>
      tpu.wait_dma2 semaphore(%run_scoped3A : memref<!tpu.dma_semaphore, #tpu.memory_space<semaphore_mem>>) src(%arg5 : memref<128x128xf32, #tpu.memory_space<hbm>>) dst(%dma_wait3A_70 : memref<128x128xf32, #tpu.memory_space<vmem_shared>>)
      tpu.yield
    }) : () -> ()
    %add3A_9 = arith.constant 384 : i32
    %add3A_10 = arith.addi %mul3A_2, %add3A_9 : i32
    "tpu.region"() ({
      %run_scoped3A = tpu.sem_alloc : memref<!tpu.dma_semaphore, #tpu.memory_space<semaphore_mem>>
      %dma_start3A_67 = arith.constant 0 : i32
      %dma_start3A_68 = tpu.memref_slice %arg11[%add3A_10, %dma_start3A_67] : memref<10240x128xf32, #tpu.memory_space<vmem_shared>> -> memref<128x128xf32, #tpu.memory_space<vmem_shared>>
      tpu.enqueue_dma source(%arg5 : memref<128x128xf32, #tpu.memory_space<hbm>>) target(%dma_start3A_68 : memref<128x128xf32, #tpu.memory_space<vmem_shared>>) target_semaphore(%run_scoped3A : memref<!tpu.dma_semaphore, #tpu.memory_space<semaphore_mem>>)
      %dma_wait3A_69 = arith.constant 0 : i32
      %dma_wait3A_70 = tpu.memref_slice %arg11[%add3A_10, %dma_wait3A_69] : memref<10240x128xf32, #tpu.memory_space<vmem_shared>> -> memref<128x128xf32, #tpu.memory_space<vmem_shared>>
      tpu.wait_dma2 semaphore(%run_scoped3A : memref<!tpu.dma_semaphore, #tpu.memory_space<semaphore_mem>>) src(%arg5 : memref<128x128xf32, #tpu.memory_space<hbm>>) dst(%dma_wait3A_70 : memref<128x128xf32, #tpu.memory_space<vmem_shared>>)
      tpu.yield
    }) : () -> ()
    %add3A_11 = arith.constant 512 : i32
    %add3A_12 = arith.addi %mul3A_2, %add3A_11 : i32
    "tpu.region"() ({
      %run_scoped3A = tpu.sem_alloc : memref<!tpu.dma_semaphore, #tpu.memory_space<semaphore_mem>>
      %dma_start3A_67 = arith.constant 0 : i32
      %dma_start3A_68 = tpu.memref_slice %arg11[%add3A_12, %dma_start3A_67] : memref<10240x128xf32, #tpu.memory_space<vmem_shared>> -> memref<128x128xf32, #tpu.memory_space<vmem_shared>>
      tpu.enqueue_dma source(%arg5 : memref<128x128xf32, #tpu.memory_space<hbm>>) target(%dma_start3A_68 : memref<128x128xf32, #tpu.memory_space<vmem_shared>>) target_semaphore(%run_scoped3A : memref<!tpu.dma_semaphore, #tpu.memory_space<semaphore_mem>>)
      %dma_wait3A_69 = arith.constant 0 : i32
      %dma_wait3A_70 = tpu.memref_slice %arg11[%add3A_12, %dma_wait3A_69] : memref<10240x128xf32, #tpu.memory_space<vmem_shared>> -> memref<128x128xf32, #tpu.memory_space<vmem_shared>>
      tpu.wait_dma2 semaphore(%run_scoped3A : memref<!tpu.dma_semaphore, #tpu.memory_space<semaphore_mem>>) src(%arg5 : memref<128x128xf32, #tpu.memory_space<hbm>>) dst(%dma_wait3A_70 : memref<128x128xf32, #tpu.memory_space<vmem_shared>>)
      tpu.yield
    }) : () -> ()
    %barrier3A = arith.constant 0 : index
    tpu.barrier barrier_id(%barrier3A)
    "tpu.region"() ({
      %run_scoped3A = tpu.sem_alloc : memref<!tpu.dma_semaphore, #tpu.memory_space<semaphore_mem>>
      %dma_start3A_67 = arith.constant 0 : i32
      %dma_start3A_68 = arith.constant 0 : i32
      %dma_start3A_69 = tpu.memref_slice %arg3[%add3A, %dma_start3A_67, %dma_start3A_68] : memref<32x80x128xi32, #tpu.memory_space<hbm>> -> memref<1x40x128xi32, #tpu.memory_space<hbm>>
      %dma_start3A_70 = tpu.memref_squeeze %dma_start3A_69 : memref<1x40x128xi32, #tpu.memory_space<hbm>> -> memref<40x128xi32, #tpu.memory_space<hbm>>
      %dma_start3A_71 = arith.constant 0 : i32
      %dma_start3A_72 = arith.constant 0 : i32
      %dma_start3A_73 = tpu.memref_slice %arg3[%add3A, %dma_start3A_71, %dma_start3A_72] : memref<32x80x128xi32, #tpu.memory_space<hbm>> -> memref<1x40x128xi32, #tpu.memory_space<hbm>>
      %dma_start3A_74 = tpu.memref_squeeze %dma_start3A_73 : memref<1x40x128xi32, #tpu.memory_space<hbm>> -> memref<40x128xi32, #tpu.memory_space<hbm>>
      tpu.enqueue_dma source(%dma_start3A_74 : memref<40x128xi32, #tpu.memory_space<hbm>>) target(%arg7 : memref<40x128xi32, #tpu.memory_space<vmem>>) target_semaphore(%run_scoped3A : memref<!tpu.dma_semaphore, #tpu.memory_space<semaphore_mem>>)
      %dma_wait3A_75 = arith.constant 0 : i32
      %dma_wait3A_76 = arith.constant 0 : i32
      %dma_wait3A_77 = tpu.memref_slice %arg3[%add3A, %dma_wait3A_75, %dma_wait3A_76] : memref<32x80x128xi32, #tpu.memory_space<hbm>> -> memref<1x40x128xi32, #tpu.memory_space<hbm>>
      %dma_wait3A_78 = tpu.memref_squeeze %dma_wait3A_77 : memref<1x40x128xi32, #tpu.memory_space<hbm>> -> memref<40x128xi32, #tpu.memory_space<hbm>>
      %dma_wait3A_79 = arith.constant 0 : i32
      %dma_wait3A_80 = arith.constant 0 : i32
      %dma_wait3A_81 = tpu.memref_slice %arg3[%add3A, %dma_wait3A_79, %dma_wait3A_80] : memref<32x80x128xi32, #tpu.memory_space<hbm>> -> memref<1x40x128xi32, #tpu.memory_space<hbm>>
      %dma_wait3A_82 = tpu.memref_squeeze %dma_wait3A_81 : memref<1x40x128xi32, #tpu.memory_space<hbm>> -> memref<40x128xi32, #tpu.memory_space<hbm>>
      tpu.wait_dma2 semaphore(%run_scoped3A : memref<!tpu.dma_semaphore, #tpu.memory_space<semaphore_mem>>) src(%dma_wait3A_82 : memref<40x128xi32, #tpu.memory_space<hbm>>) dst(%arg7 : memref<40x128xi32, #tpu.memory_space<vmem>>)
      tpu.yield
    }) : () -> ()
    "tpu.region"() ({
      %run_scoped3A = tpu.sem_alloc : memref<!tpu.dma_semaphore, #tpu.memory_space<semaphore_mem>>
      %dma_start3A_67 = arith.constant 0 : i32
      %dma_start3A_68 = arith.constant 0 : i32
      %dma_start3A_69 = tpu.memref_slice %arg4[%add3A, %dma_start3A_67, %dma_start3A_68] : memref<32x80x128xi32, #tpu.memory_space<hbm>> -> memref<1x40x128xi32, #tpu.memory_space<hbm>>
      %dma_start3A_70 = tpu.memref_squeeze %dma_start3A_69 : memref<1x40x128xi32, #tpu.memory_space<hbm>> -> memref<40x128xi32, #tpu.memory_space<hbm>>
      %dma_start3A_71 = arith.constant 0 : i32
      %dma_start3A_72 = arith.constant 0 : i32
      %dma_start3A_73 = tpu.memref_slice %arg4[%add3A, %dma_start3A_71, %dma_start3A_72] : memref<32x80x128xi32, #tpu.memory_space<hbm>> -> memref<1x40x128xi32, #tpu.memory_space<hbm>>
      %dma_start3A_74 = tpu.memref_squeeze %dma_start3A_73 : memref<1x40x128xi32, #tpu.memory_space<hbm>> -> memref<40x128xi32, #tpu.memory_space<hbm>>
      tpu.enqueue_dma source(%dma_start3A_74 : memref<40x128xi32, #tpu.memory_space<hbm>>) target(%arg8 : memref<40x128xi32, #tpu.memory_space<vmem>>) target_semaphore(%run_scoped3A : memref<!tpu.dma_semaphore, #tpu.memory_space<semaphore_mem>>)
      %dma_wait3A_75 = arith.constant 0 : i32
      %dma_wait3A_76 = arith.constant 0 : i32
      %dma_wait3A_77 = tpu.memref_slice %arg4[%add3A, %dma_wait3A_75, %dma_wait3A_76] : memref<32x80x128xi32, #tpu.memory_space<hbm>> -> memref<1x40x128xi32, #tpu.memory_space<hbm>>
      %dma_wait3A_78 = tpu.memref_squeeze %dma_wait3A_77 : memref<1x40x128xi32, #tpu.memory_space<hbm>> -> memref<40x128xi32, #tpu.memory_space<hbm>>
      %dma_wait3A_79 = arith.constant 0 : i32
      %dma_wait3A_80 = arith.constant 0 : i32
      %dma_wait3A_81 = tpu.memref_slice %arg4[%add3A, %dma_wait3A_79, %dma_wait3A_80] : memref<32x80x128xi32, #tpu.memory_space<hbm>> -> memref<1x40x128xi32, #tpu.memory_space<hbm>>
      %dma_wait3A_82 = tpu.memref_squeeze %dma_wait3A_81 : memref<1x40x128xi32, #tpu.memory_space<hbm>> -> memref<40x128xi32, #tpu.memory_space<hbm>>
      tpu.wait_dma2 semaphore(%run_scoped3A : memref<!tpu.dma_semaphore, #tpu.memory_space<semaphore_mem>>) src(%dma_wait3A_82 : memref<40x128xi32, #tpu.memory_space<hbm>>) dst(%arg8 : memref<40x128xi32, #tpu.memory_space<vmem>>)
      tpu.yield
    }) : () -> ()
    %dma_start3A = arith.constant 0 : i32
    %dma_start3A_13 = arith.constant 0 : i32
    %dma_start3A_14 = tpu.memref_slice %arg7[%dma_start3A, %dma_start3A_13] : memref<40x128xi32, #tpu.memory_space<vmem>> -> memref<1x128xi32, #tpu.memory_space<vmem>>
    %dma_start3A_15 = tpu.memref_squeeze %dma_start3A_14 : memref<1x128xi32, #tpu.memory_space<vmem>> -> memref<128xi32, #tpu.memory_space<vmem>>
    %dma_start3A_16 = arith.constant 0 : i32
    %dma_start3A_17 = arith.constant 0 : i32
    %dma_start3A_18 = tpu.memref_slice %arg2[%dma_start3A_16, %dma_start3A_17] : memref<10000x128xf32, #tpu.memory_space<hbm>> -> memref<10000x128xf32, #tpu.memory_space<hbm>>
    tpu.enqueue_indirect_dma source(%dma_start3A_18 : memref<10000x128xf32, #tpu.memory_space<hbm>>) target(%arg9 : memref<128x128xf32, #tpu.memory_space<vmem>>) offsets(%dma_start3A_15 : memref<128xi32, #tpu.memory_space<vmem>>) semaphore(%arg12 : memref<!tpu.dma_semaphore, #tpu.memory_space<semaphore_mem>>)
    %scan3A = arith.constant 0 : i32
    %scan3A_19 = arith.constant 0 : i32
    %scan3A_20 = arith.constant 20 : i32
    %scan3A_21 = arith.addi %scan3A_19, %scan3A_20 : i32
    %scan3A_22 = arith.constant 1 : i32
    %scan3A_23 = scf.for %scan3A_67 = %scan3A_19 to %scan3A_21 step %scan3A_22 iter_args(%scan3A_68 = %scan3A) -> (i32)  : i32 {
      %mul3A_69 = arith.constant 2 : i32
      %mul3A_70 = arith.muli %mul3A_69, %scan3A_67 : i32
      %mul3A_71 = arith.constant 2 : i32
      %mul3A_72 = arith.muli %mul3A_71, %scan3A_67 : i32
      %add3A_73 = arith.constant 1 : i32
      %add3A_74 = arith.addi %mul3A_72, %add3A_73 : i32
      %dma_wait3A_75 = arith.constant 0 : i32
      %dma_wait3A_76 = arith.constant 0 : i32
      %dma_wait3A_77 = tpu.memref_slice %arg7[%dma_wait3A_75, %dma_wait3A_76] : memref<40x128xi32, #tpu.memory_space<vmem>> -> memref<1x128xi32, #tpu.memory_space<vmem>>
      %dma_wait3A_78 = tpu.memref_squeeze %dma_wait3A_77 : memref<1x128xi32, #tpu.memory_space<vmem>> -> memref<128xi32, #tpu.memory_space<vmem>>
      %dma_wait3A_79 = arith.constant 0 : i32
      %dma_wait3A_80 = arith.constant 0 : i32
      %dma_wait3A_81 = tpu.memref_slice %arg2[%dma_wait3A_79, %dma_wait3A_80] : memref<10000x128xf32, #tpu.memory_space<hbm>> -> memref<10000x128xf32, #tpu.memory_space<hbm>>
      tpu.wait_indirect_dma semaphore(%arg12 : memref<!tpu.dma_semaphore, #tpu.memory_space<semaphore_mem>>) src(%dma_wait3A_81 : memref<10000x128xf32, #tpu.memory_space<hbm>>) dst(%arg9 : memref<128x128xf32, #tpu.memory_space<vmem>>)
      %dma_start3A_82 = arith.constant 0 : i32
      %dma_start3A_83 = tpu.memref_slice %arg8[%mul3A_70, %dma_start3A_82] : memref<40x128xi32, #tpu.memory_space<vmem>> -> memref<1x128xi32, #tpu.memory_space<vmem>>
      %dma_start3A_84 = tpu.memref_squeeze %dma_start3A_83 : memref<1x128xi32, #tpu.memory_space<vmem>> -> memref<128xi32, #tpu.memory_space<vmem>>
      %dma_start3A_85 = arith.constant 0 : i32
      %dma_start3A_86 = arith.constant 0 : i32
      %dma_start3A_87 = tpu.memref_slice %arg11[%dma_start3A_85, %dma_start3A_86] : memref<10240x128xf32, #tpu.memory_space<vmem_shared>> -> memref<10240x128xf32, #tpu.memory_space<vmem_shared>>
      tpu.enqueue_indirect_dma source(%arg9 : memref<128x128xf32, #tpu.memory_space<vmem>>) target(%dma_start3A_87 : memref<10240x128xf32, #tpu.memory_space<vmem_shared>>) offsets(%dma_start3A_84 : memref<128xi32, #tpu.memory_space<vmem>>) semaphore(%arg14 : memref<!tpu.dma_semaphore, #tpu.memory_space<semaphore_mem>>) {add = true}
      %gt3A = arith.constant 0 : i32
      %gt3A_88 = arith.cmpi sgt, %scan3A_67, %gt3A : i32
      %convert_element_type3A = arith.extui %gt3A_88 : i1 to i32
      %cond3A = arith.constant 0 : i32
      %cond3A_89 = arith.cmpi ne, %convert_element_type3A, %cond3A : i32
      scf.if %cond3A_89 {
        %dma_wait3A_126 = arith.constant 0 : i32
        %dma_wait3A_127 = arith.constant 0 : i32
        %dma_wait3A_128 = tpu.memref_slice %arg8[%dma_wait3A_126, %dma_wait3A_127] : memref<40x128xi32, #tpu.memory_space<vmem>> -> memref<1x128xi32, #tpu.memory_space<vmem>>
        %dma_wait3A_129 = tpu.memref_squeeze %dma_wait3A_128 : memref<1x128xi32, #tpu.memory_space<vmem>> -> memref<128xi32, #tpu.memory_space<vmem>>
        %dma_wait3A_130 = arith.constant 0 : i32
        %dma_wait3A_131 = arith.constant 0 : i32
        %dma_wait3A_132 = tpu.memref_slice %arg11[%dma_wait3A_130, %dma_wait3A_131] : memref<10240x128xf32, #tpu.memory_space<vmem_shared>> -> memref<10240x128xf32, #tpu.memory_space<vmem_shared>>
        tpu.wait_indirect_dma semaphore(%arg15 : memref<!tpu.dma_semaphore, #tpu.memory_space<semaphore_mem>>) src(%arg10 : memref<128x128xf32, #tpu.memory_space<vmem>>) dst(%dma_wait3A_132 : memref<10240x128xf32, #tpu.memory_space<vmem_shared>>)
      } else {
      }
      %dma_start3A_90 = arith.constant 0 : i32
      %dma_start3A_91 = tpu.memref_slice %arg7[%add3A_74, %dma_start3A_90] : memref<40x128xi32, #tpu.memory_space<vmem>> -> memref<1x128xi32, #tpu.memory_space<vmem>>
      %dma_start3A_92 = tpu.memref_squeeze %dma_start3A_91 : memref<1x128xi32, #tpu.memory_space<vmem>> -> memref<128xi32, #tpu.memory_space<vmem>>
      %dma_start3A_93 = arith.constant 0 : i32
      %dma_start3A_94 = arith.constant 0 : i32
      %dma_start3A_95 = tpu.memref_slice %arg2[%dma_start3A_93, %dma_start3A_94] : memref<10000x128xf32, #tpu.memory_space<hbm>> -> memref<10000x128xf32, #tpu.memory_space<hbm>>
      tpu.enqueue_indirect_dma source(%dma_start3A_95 : memref<10000x128xf32, #tpu.memory_space<hbm>>) target(%arg10 : memref<128x128xf32, #tpu.memory_space<vmem>>) offsets(%dma_start3A_92 : memref<128xi32, #tpu.memory_space<vmem>>) semaphore(%arg13 : memref<!tpu.dma_semaphore, #tpu.memory_space<semaphore_mem>>)
      %dma_wait3A_96 = arith.constant 0 : i32
      %dma_wait3A_97 = arith.constant 0 : i32
      %dma_wait3A_98 = tpu.memref_slice %arg7[%dma_wait3A_96, %dma_wait3A_97] : memref<40x128xi32, #tpu.memory_space<vmem>> -> memref<1x128xi32, #tpu.memory_space<vmem>>
      %dma_wait3A_99 = tpu.memref_squeeze %dma_wait3A_98 : memref<1x128xi32, #tpu.memory_space<vmem>> -> memref<128xi32, #tpu.memory_space<vmem>>
      %dma_wait3A_100 = arith.constant 0 : i32
      %dma_wait3A_101 = arith.constant 0 : i32
      %dma_wait3A_102 = tpu.memref_slice %arg2[%dma_wait3A_100, %dma_wait3A_101] : memref<10000x128xf32, #tpu.memory_space<hbm>> -> memref<10000x128xf32, #tpu.memory_space<hbm>>
      tpu.wait_indirect_dma semaphore(%arg13 : memref<!tpu.dma_semaphore, #tpu.memory_space<semaphore_mem>>) src(%dma_wait3A_102 : memref<10000x128xf32, #tpu.memory_space<hbm>>) dst(%arg10 : memref<128x128xf32, #tpu.memory_space<vmem>>)
      %dma_start3A_103 = arith.constant 0 : i32
      %dma_start3A_104 = tpu.memref_slice %arg8[%add3A_74, %dma_start3A_103] : memref<40x128xi32, #tpu.memory_space<vmem>> -> memref<1x128xi32, #tpu.memory_space<vmem>>
      %dma_start3A_105 = tpu.memref_squeeze %dma_start3A_104 : memref<1x128xi32, #tpu.memory_space<vmem>> -> memref<128xi32, #tpu.memory_space<vmem>>
      %dma_start3A_106 = arith.constant 0 : i32
      %dma_start3A_107 = arith.constant 0 : i32
      %dma_start3A_108 = tpu.memref_slice %arg11[%dma_start3A_106, %dma_start3A_107] : memref<10240x128xf32, #tpu.memory_space<vmem_shared>> -> memref<10240x128xf32, #tpu.memory_space<vmem_shared>>
      tpu.enqueue_indirect_dma source(%arg10 : memref<128x128xf32, #tpu.memory_space<vmem>>) target(%dma_start3A_108 : memref<10240x128xf32, #tpu.memory_space<vmem_shared>>) offsets(%dma_start3A_105 : memref<128xi32, #tpu.memory_space<vmem>>) semaphore(%arg15 : memref<!tpu.dma_semaphore, #tpu.memory_space<semaphore_mem>>) {add = true}
      %dma_wait3A_109 = arith.constant 0 : i32
      %dma_wait3A_110 = arith.constant 0 : i32
      %dma_wait3A_111 = tpu.memref_slice %arg8[%dma_wait3A_109, %dma_wait3A_110] : memref<40x128xi32, #tpu.memory_space<vmem>> -> memref<1x128xi32, #tpu.memory_space<vmem>>
      %dma_wait3A_112 = tpu.memref_squeeze %dma_wait3A_111 : memref<1x128xi32, #tpu.memory_space<vmem>> -> memref<128xi32, #tpu.memory_space<vmem>>
      %dma_wait3A_113 = arith.constant 0 : i32
      %dma_wait3A_114 = arith.constant 0 : i32
      %dma_wait3A_115 = tpu.memref_slice %arg11[%dma_wait3A_113, %dma_wait3A_114] : memref<10240x128xf32, #tpu.memory_space<vmem_shared>> -> memref<10240x128xf32, #tpu.memory_space<vmem_shared>>
      tpu.wait_indirect_dma semaphore(%arg14 : memref<!tpu.dma_semaphore, #tpu.memory_space<semaphore_mem>>) src(%arg9 : memref<128x128xf32, #tpu.memory_space<vmem>>) dst(%dma_wait3A_115 : memref<10240x128xf32, #tpu.memory_space<vmem_shared>>)
      %add3A_116 = arith.constant 2 : i32
      %add3A_117 = arith.addi %mul3A_70, %add3A_116 : i32
      %min3A = arith.constant 39 : i32
      %min3A_118 = arith.minsi %add3A_117, %min3A : i32
      %dma_start3A_119 = arith.constant 0 : i32
      %dma_start3A_120 = tpu.memref_slice %arg7[%min3A_118, %dma_start3A_119] : memref<40x128xi32, #tpu.memory_space<vmem>> -> memref<1x128xi32, #tpu.memory_space<vmem>>
      %dma_start3A_121 = tpu.memref_squeeze %dma_start3A_120 : memref<1x128xi32, #tpu.memory_space<vmem>> -> memref<128xi32, #tpu.memory_space<vmem>>
      %dma_start3A_122 = arith.constant 0 : i32
      %dma_start3A_123 = arith.constant 0 : i32
      %dma_start3A_124 = tpu.memref_slice %arg2[%dma_start3A_122, %dma_start3A_123] : memref<10000x128xf32, #tpu.memory_space<hbm>> -> memref<10000x128xf32, #tpu.memory_space<hbm>>
      tpu.enqueue_indirect_dma source(%dma_start3A_124 : memref<10000x128xf32, #tpu.memory_space<hbm>>) target(%arg9 : memref<128x128xf32, #tpu.memory_space<vmem>>) offsets(%dma_start3A_121 : memref<128xi32, #tpu.memory_space<vmem>>) semaphore(%arg12 : memref<!tpu.dma_semaphore, #tpu.memory_space<semaphore_mem>>)
      %scan3A_125 = arith.constant 0 : i32
      scf.yield %scan3A_125 : i32
    }
    %scan3A_24 = arith.constant 20 : i32
    %dma_wait3A = arith.constant 0 : i32
    %dma_wait3A_25 = arith.constant 0 : i32
    %dma_wait3A_26 = tpu.memref_slice %arg8[%dma_wait3A, %dma_wait3A_25] : memref<40x128xi32, #tpu.memory_space<vmem>> -> memref<1x128xi32, #tpu.memory_space<vmem>>
    %dma_wait3A_27 = tpu.memref_squeeze %dma_wait3A_26 : memref<1x128xi32, #tpu.memory_space<vmem>> -> memref<128xi32, #tpu.memory_space<vmem>>
    %dma_wait3A_28 = arith.constant 0 : i32
    %dma_wait3A_29 = arith.constant 0 : i32
    %dma_wait3A_30 = tpu.memref_slice %arg11[%dma_wait3A_28, %dma_wait3A_29] : memref<10240x128xf32, #tpu.memory_space<vmem_shared>> -> memref<10240x128xf32, #tpu.memory_space<vmem_shared>>
    tpu.wait_indirect_dma semaphore(%arg15 : memref<!tpu.dma_semaphore, #tpu.memory_space<semaphore_mem>>) src(%arg10 : memref<128x128xf32, #tpu.memory_space<vmem>>) dst(%dma_wait3A_30 : memref<10240x128xf32, #tpu.memory_space<vmem_shared>>)
    %dma_wait3A_31 = arith.constant 0 : i32
    %dma_wait3A_32 = arith.constant 0 : i32
    %dma_wait3A_33 = tpu.memref_slice %arg7[%dma_wait3A_31, %dma_wait3A_32] : memref<40x128xi32, #tpu.memory_space<vmem>> -> memref<1x128xi32, #tpu.memory_space<vmem>>
    %dma_wait3A_34 = tpu.memref_squeeze %dma_wait3A_33 : memref<1x128xi32, #tpu.memory_space<vmem>> -> memref<128xi32, #tpu.memory_space<vmem>>
    %dma_wait3A_35 = arith.constant 0 : i32
    %dma_wait3A_36 = arith.constant 0 : i32
    %dma_wait3A_37 = tpu.memref_slice %arg2[%dma_wait3A_35, %dma_wait3A_36] : memref<10000x128xf32, #tpu.memory_space<hbm>> -> memref<10000x128xf32, #tpu.memory_space<hbm>>
    tpu.wait_indirect_dma semaphore(%arg12 : memref<!tpu.dma_semaphore, #tpu.memory_space<semaphore_mem>>) src(%dma_wait3A_37 : memref<10000x128xf32, #tpu.memory_space<hbm>>) dst(%arg9 : memref<128x128xf32, #tpu.memory_space<vmem>>)
    "tpu.region"() ({
      %run_scoped3A = tpu.sem_alloc : memref<!tpu.dma_semaphore, #tpu.memory_space<semaphore_mem>>
      %dma_start3A_67 = arith.constant 40 : i32
      %dma_start3A_68 = arith.constant 0 : i32
      %dma_start3A_69 = tpu.memref_slice %arg3[%add3A, %dma_start3A_67, %dma_start3A_68] : memref<32x80x128xi32, #tpu.memory_space<hbm>> -> memref<1x40x128xi32, #tpu.memory_space<hbm>>
      %dma_start3A_70 = tpu.memref_squeeze %dma_start3A_69 : memref<1x40x128xi32, #tpu.memory_space<hbm>> -> memref<40x128xi32, #tpu.memory_space<hbm>>
      %dma_start3A_71 = arith.constant 40 : i32
      %dma_start3A_72 = arith.constant 0 : i32
      %dma_start3A_73 = tpu.memref_slice %arg3[%add3A, %dma_start3A_71, %dma_start3A_72] : memref<32x80x128xi32, #tpu.memory_space<hbm>> -> memref<1x40x128xi32, #tpu.memory_space<hbm>>
      %dma_start3A_74 = tpu.memref_squeeze %dma_start3A_73 : memref<1x40x128xi32, #tpu.memory_space<hbm>> -> memref<40x128xi32, #tpu.memory_space<hbm>>
      tpu.enqueue_dma source(%dma_start3A_74 : memref<40x128xi32, #tpu.memory_space<hbm>>) target(%arg7 : memref<40x128xi32, #tpu.memory_space<vmem>>) target_semaphore(%run_scoped3A : memref<!tpu.dma_semaphore, #tpu.memory_space<semaphore_mem>>)
      %dma_wait3A_75 = arith.constant 40 : i32
      %dma_wait3A_76 = arith.constant 0 : i32
      %dma_wait3A_77 = tpu.memref_slice %arg3[%add3A, %dma_wait3A_75, %dma_wait3A_76] : memref<32x80x128xi32, #tpu.memory_space<hbm>> -> memref<1x40x128xi32, #tpu.memory_space<hbm>>
      %dma_wait3A_78 = tpu.memref_squeeze %dma_wait3A_77 : memref<1x40x128xi32, #tpu.memory_space<hbm>> -> memref<40x128xi32, #tpu.memory_space<hbm>>
      %dma_wait3A_79 = arith.constant 40 : i32
      %dma_wait3A_80 = arith.constant 0 : i32
      %dma_wait3A_81 = tpu.memref_slice %arg3[%add3A, %dma_wait3A_79, %dma_wait3A_80] : memref<32x80x128xi32, #tpu.memory_space<hbm>> -> memref<1x40x128xi32, #tpu.memory_space<hbm>>
      %dma_wait3A_82 = tpu.memref_squeeze %dma_wait3A_81 : memref<1x40x128xi32, #tpu.memory_space<hbm>> -> memref<40x128xi32, #tpu.memory_space<hbm>>
      tpu.wait_dma2 semaphore(%run_scoped3A : memref<!tpu.dma_semaphore, #tpu.memory_space<semaphore_mem>>) src(%dma_wait3A_82 : memref<40x128xi32, #tpu.memory_space<hbm>>) dst(%arg7 : memref<40x128xi32, #tpu.memory_space<vmem>>)
      tpu.yield
    }) : () -> ()
    "tpu.region"() ({
      %run_scoped3A = tpu.sem_alloc : memref<!tpu.dma_semaphore, #tpu.memory_space<semaphore_mem>>
      %dma_start3A_67 = arith.constant 40 : i32
      %dma_start3A_68 = arith.constant 0 : i32
      %dma_start3A_69 = tpu.memref_slice %arg4[%add3A, %dma_start3A_67, %dma_start3A_68] : memref<32x80x128xi32, #tpu.memory_space<hbm>> -> memref<1x40x128xi32, #tpu.memory_space<hbm>>
      %dma_start3A_70 = tpu.memref_squeeze %dma_start3A_69 : memref<1x40x128xi32, #tpu.memory_space<hbm>> -> memref<40x128xi32, #tpu.memory_space<hbm>>
      %dma_start3A_71 = arith.constant 40 : i32
      %dma_start3A_72 = arith.constant 0 : i32
      %dma_start3A_73 = tpu.memref_slice %arg4[%add3A, %dma_start3A_71, %dma_start3A_72] : memref<32x80x128xi32, #tpu.memory_space<hbm>> -> memref<1x40x128xi32, #tpu.memory_space<hbm>>
      %dma_start3A_74 = tpu.memref_squeeze %dma_start3A_73 : memref<1x40x128xi32, #tpu.memory_space<hbm>> -> memref<40x128xi32, #tpu.memory_space<hbm>>
      tpu.enqueue_dma source(%dma_start3A_74 : memref<40x128xi32, #tpu.memory_space<hbm>>) target(%arg8 : memref<40x128xi32, #tpu.memory_space<vmem>>) target_semaphore(%run_scoped3A : memref<!tpu.dma_semaphore, #tpu.memory_space<semaphore_mem>>)
      %dma_wait3A_75 = arith.constant 40 : i32
      %dma_wait3A_76 = arith.constant 0 : i32
      %dma_wait3A_77 = tpu.memref_slice %arg4[%add3A, %dma_wait3A_75, %dma_wait3A_76] : memref<32x80x128xi32, #tpu.memory_space<hbm>> -> memref<1x40x128xi32, #tpu.memory_space<hbm>>
      %dma_wait3A_78 = tpu.memref_squeeze %dma_wait3A_77 : memref<1x40x128xi32, #tpu.memory_space<hbm>> -> memref<40x128xi32, #tpu.memory_space<hbm>>
      %dma_wait3A_79 = arith.constant 40 : i32
      %dma_wait3A_80 = arith.constant 0 : i32
      %dma_wait3A_81 = tpu.memref_slice %arg4[%add3A, %dma_wait3A_79, %dma_wait3A_80] : memref<32x80x128xi32, #tpu.memory_space<hbm>> -> memref<1x40x128xi32, #tpu.memory_space<hbm>>
      %dma_wait3A_82 = tpu.memref_squeeze %dma_wait3A_81 : memref<1x40x128xi32, #tpu.memory_space<hbm>> -> memref<40x128xi32, #tpu.memory_space<hbm>>
      tpu.wait_dma2 semaphore(%run_scoped3A : memref<!tpu.dma_semaphore, #tpu.memory_space<semaphore_mem>>) src(%dma_wait3A_82 : memref<40x128xi32, #tpu.memory_space<hbm>>) dst(%arg8 : memref<40x128xi32, #tpu.memory_space<vmem>>)
      tpu.yield
    }) : () -> ()
    %dma_start3A_38 = arith.constant 0 : i32
    %dma_start3A_39 = arith.constant 0 : i32
    %dma_start3A_40 = tpu.memref_slice %arg7[%dma_start3A_38, %dma_start3A_39] : memref<40x128xi32, #tpu.memory_space<vmem>> -> memref<1x128xi32, #tpu.memory_space<vmem>>
    %dma_start3A_41 = tpu.memref_squeeze %dma_start3A_40 : memref<1x128xi32, #tpu.memory_space<vmem>> -> memref<128xi32, #tpu.memory_space<vmem>>
    %dma_start3A_42 = arith.constant 0 : i32
    %dma_start3A_43 = arith.constant 0 : i32
    %dma_start3A_44 = tpu.memref_slice %arg2[%dma_start3A_42, %dma_start3A_43] : memref<10000x128xf32, #tpu.memory_space<hbm>> -> memref<10000x128xf32, #tpu.memory_space<hbm>>
    tpu.enqueue_indirect_dma source(%dma_start3A_44 : memref<10000x128xf32, #tpu.memory_space<hbm>>) target(%arg9 : memref<128x128xf32, #tpu.memory_space<vmem>>) offsets(%dma_start3A_41 : memref<128xi32, #tpu.memory_space<vmem>>) semaphore(%arg12 : memref<!tpu.dma_semaphore, #tpu.memory_space<semaphore_mem>>)
    %scan3A_45 = arith.constant 0 : i32
    %scan3A_46 = arith.constant 0 : i32
    %scan3A_47 = arith.constant 20 : i32
    %scan3A_48 = arith.addi %scan3A_46, %scan3A_47 : i32
    %scan3A_49 = arith.constant 1 : i32
    %scan3A_50 = scf.for %scan3A_67 = %scan3A_46 to %scan3A_48 step %scan3A_49 iter_args(%scan3A_68 = %scan3A_45) -> (i32)  : i32 {
      %mul3A_69 = arith.constant 2 : i32
      %mul3A_70 = arith.muli %mul3A_69, %scan3A_67 : i32
      %mul3A_71 = arith.constant 2 : i32
      %mul3A_72 = arith.muli %mul3A_71, %scan3A_67 : i32
      %add3A_73 = arith.constant 1 : i32
      %add3A_74 = arith.addi %mul3A_72, %add3A_73 : i32
      %dma_wait3A_75 = arith.constant 0 : i32
      %dma_wait3A_76 = arith.constant 0 : i32
      %dma_wait3A_77 = tpu.memref_slice %arg7[%dma_wait3A_75, %dma_wait3A_76] : memref<40x128xi32, #tpu.memory_space<vmem>> -> memref<1x128xi32, #tpu.memory_space<vmem>>
      %dma_wait3A_78 = tpu.memref_squeeze %dma_wait3A_77 : memref<1x128xi32, #tpu.memory_space<vmem>> -> memref<128xi32, #tpu.memory_space<vmem>>
      %dma_wait3A_79 = arith.constant 0 : i32
      %dma_wait3A_80 = arith.constant 0 : i32
      %dma_wait3A_81 = tpu.memref_slice %arg2[%dma_wait3A_79, %dma_wait3A_80] : memref<10000x128xf32, #tpu.memory_space<hbm>> -> memref<10000x128xf32, #tpu.memory_space<hbm>>
      tpu.wait_indirect_dma semaphore(%arg12 : memref<!tpu.dma_semaphore, #tpu.memory_space<semaphore_mem>>) src(%dma_wait3A_81 : memref<10000x128xf32, #tpu.memory_space<hbm>>) dst(%arg9 : memref<128x128xf32, #tpu.memory_space<vmem>>)
      %dma_start3A_82 = arith.constant 0 : i32
      %dma_start3A_83 = tpu.memref_slice %arg8[%mul3A_70, %dma_start3A_82] : memref<40x128xi32, #tpu.memory_space<vmem>> -> memref<1x128xi32, #tpu.memory_space<vmem>>
      %dma_start3A_84 = tpu.memref_squeeze %dma_start3A_83 : memref<1x128xi32, #tpu.memory_space<vmem>> -> memref<128xi32, #tpu.memory_space<vmem>>
      %dma_start3A_85 = arith.constant 0 : i32
      %dma_start3A_86 = arith.constant 0 : i32
      %dma_start3A_87 = tpu.memref_slice %arg11[%dma_start3A_85, %dma_start3A_86] : memref<10240x128xf32, #tpu.memory_space<vmem_shared>> -> memref<10240x128xf32, #tpu.memory_space<vmem_shared>>
      tpu.enqueue_indirect_dma source(%arg9 : memref<128x128xf32, #tpu.memory_space<vmem>>) target(%dma_start3A_87 : memref<10240x128xf32, #tpu.memory_space<vmem_shared>>) offsets(%dma_start3A_84 : memref<128xi32, #tpu.memory_space<vmem>>) semaphore(%arg14 : memref<!tpu.dma_semaphore, #tpu.memory_space<semaphore_mem>>) {add = true}
      %gt3A = arith.constant 0 : i32
      %gt3A_88 = arith.cmpi sgt, %scan3A_67, %gt3A : i32
      %convert_element_type3A = arith.extui %gt3A_88 : i1 to i32
      %cond3A = arith.constant 0 : i32
      %cond3A_89 = arith.cmpi ne, %convert_element_type3A, %cond3A : i32
      scf.if %cond3A_89 {
        %dma_wait3A_126 = arith.constant 0 : i32
        %dma_wait3A_127 = arith.constant 0 : i32
        %dma_wait3A_128 = tpu.memref_slice %arg8[%dma_wait3A_126, %dma_wait3A_127] : memref<40x128xi32, #tpu.memory_space<vmem>> -> memref<1x128xi32, #tpu.memory_space<vmem>>
        %dma_wait3A_129 = tpu.memref_squeeze %dma_wait3A_128 : memref<1x128xi32, #tpu.memory_space<vmem>> -> memref<128xi32, #tpu.memory_space<vmem>>
        %dma_wait3A_130 = arith.constant 0 : i32
        %dma_wait3A_131 = arith.constant 0 : i32
        %dma_wait3A_132 = tpu.memref_slice %arg11[%dma_wait3A_130, %dma_wait3A_131] : memref<10240x128xf32, #tpu.memory_space<vmem_shared>> -> memref<10240x128xf32, #tpu.memory_space<vmem_shared>>
        tpu.wait_indirect_dma semaphore(%arg15 : memref<!tpu.dma_semaphore, #tpu.memory_space<semaphore_mem>>) src(%arg10 : memref<128x128xf32, #tpu.memory_space<vmem>>) dst(%dma_wait3A_132 : memref<10240x128xf32, #tpu.memory_space<vmem_shared>>)
      } else {
      }
      %dma_start3A_90 = arith.constant 0 : i32
      %dma_start3A_91 = tpu.memref_slice %arg7[%add3A_74, %dma_start3A_90] : memref<40x128xi32, #tpu.memory_space<vmem>> -> memref<1x128xi32, #tpu.memory_space<vmem>>
      %dma_start3A_92 = tpu.memref_squeeze %dma_start3A_91 : memref<1x128xi32, #tpu.memory_space<vmem>> -> memref<128xi32, #tpu.memory_space<vmem>>
      %dma_start3A_93 = arith.constant 0 : i32
      %dma_start3A_94 = arith.constant 0 : i32
      %dma_start3A_95 = tpu.memref_slice %arg2[%dma_start3A_93, %dma_start3A_94] : memref<10000x128xf32, #tpu.memory_space<hbm>> -> memref<10000x128xf32, #tpu.memory_space<hbm>>
      tpu.enqueue_indirect_dma source(%dma_start3A_95 : memref<10000x128xf32, #tpu.memory_space<hbm>>) target(%arg10 : memref<128x128xf32, #tpu.memory_space<vmem>>) offsets(%dma_start3A_92 : memref<128xi32, #tpu.memory_space<vmem>>) semaphore(%arg13 : memref<!tpu.dma_semaphore, #tpu.memory_space<semaphore_mem>>)
      %dma_wait3A_96 = arith.constant 0 : i32
      %dma_wait3A_97 = arith.constant 0 : i32
      %dma_wait3A_98 = tpu.memref_slice %arg7[%dma_wait3A_96, %dma_wait3A_97] : memref<40x128xi32, #tpu.memory_space<vmem>> -> memref<1x128xi32, #tpu.memory_space<vmem>>
      %dma_wait3A_99 = tpu.memref_squeeze %dma_wait3A_98 : memref<1x128xi32, #tpu.memory_space<vmem>> -> memref<128xi32, #tpu.memory_space<vmem>>
      %dma_wait3A_100 = arith.constant 0 : i32
      %dma_wait3A_101 = arith.constant 0 : i32
      %dma_wait3A_102 = tpu.memref_slice %arg2[%dma_wait3A_100, %dma_wait3A_101] : memref<10000x128xf32, #tpu.memory_space<hbm>> -> memref<10000x128xf32, #tpu.memory_space<hbm>>
      tpu.wait_indirect_dma semaphore(%arg13 : memref<!tpu.dma_semaphore, #tpu.memory_space<semaphore_mem>>) src(%dma_wait3A_102 : memref<10000x128xf32, #tpu.memory_space<hbm>>) dst(%arg10 : memref<128x128xf32, #tpu.memory_space<vmem>>)
      %dma_start3A_103 = arith.constant 0 : i32
      %dma_start3A_104 = tpu.memref_slice %arg8[%add3A_74, %dma_start3A_103] : memref<40x128xi32, #tpu.memory_space<vmem>> -> memref<1x128xi32, #tpu.memory_space<vmem>>
      %dma_start3A_105 = tpu.memref_squeeze %dma_start3A_104 : memref<1x128xi32, #tpu.memory_space<vmem>> -> memref<128xi32, #tpu.memory_space<vmem>>
      %dma_start3A_106 = arith.constant 0 : i32
      %dma_start3A_107 = arith.constant 0 : i32
      %dma_start3A_108 = tpu.memref_slice %arg11[%dma_start3A_106, %dma_start3A_107] : memref<10240x128xf32, #tpu.memory_space<vmem_shared>> -> memref<10240x128xf32, #tpu.memory_space<vmem_shared>>
      tpu.enqueue_indirect_dma source(%arg10 : memref<128x128xf32, #tpu.memory_space<vmem>>) target(%dma_start3A_108 : memref<10240x128xf32, #tpu.memory_space<vmem_shared>>) offsets(%dma_start3A_105 : memref<128xi32, #tpu.memory_space<vmem>>) semaphore(%arg15 : memref<!tpu.dma_semaphore, #tpu.memory_space<semaphore_mem>>) {add = true}
      %dma_wait3A_109 = arith.constant 0 : i32
      %dma_wait3A_110 = arith.constant 0 : i32
      %dma_wait3A_111 = tpu.memref_slice %arg8[%dma_wait3A_109, %dma_wait3A_110] : memref<40x128xi32, #tpu.memory_space<vmem>> -> memref<1x128xi32, #tpu.memory_space<vmem>>
      %dma_wait3A_112 = tpu.memref_squeeze %dma_wait3A_111 : memref<1x128xi32, #tpu.memory_space<vmem>> -> memref<128xi32, #tpu.memory_space<vmem>>
      %dma_wait3A_113 = arith.constant 0 : i32
      %dma_wait3A_114 = arith.constant 0 : i32
      %dma_wait3A_115 = tpu.memref_slice %arg11[%dma_wait3A_113, %dma_wait3A_114] : memref<10240x128xf32, #tpu.memory_space<vmem_shared>> -> memref<10240x128xf32, #tpu.memory_space<vmem_shared>>
      tpu.wait_indirect_dma semaphore(%arg14 : memref<!tpu.dma_semaphore, #tpu.memory_space<semaphore_mem>>) src(%arg9 : memref<128x128xf32, #tpu.memory_space<vmem>>) dst(%dma_wait3A_115 : memref<10240x128xf32, #tpu.memory_space<vmem_shared>>)
      %add3A_116 = arith.constant 2 : i32
      %add3A_117 = arith.addi %mul3A_70, %add3A_116 : i32
      %min3A = arith.constant 39 : i32
      %min3A_118 = arith.minsi %add3A_117, %min3A : i32
      %dma_start3A_119 = arith.constant 0 : i32
      %dma_start3A_120 = tpu.memref_slice %arg7[%min3A_118, %dma_start3A_119] : memref<40x128xi32, #tpu.memory_space<vmem>> -> memref<1x128xi32, #tpu.memory_space<vmem>>
      %dma_start3A_121 = tpu.memref_squeeze %dma_start3A_120 : memref<1x128xi32, #tpu.memory_space<vmem>> -> memref<128xi32, #tpu.memory_space<vmem>>
      %dma_start3A_122 = arith.constant 0 : i32
      %dma_start3A_123 = arith.constant 0 : i32
      %dma_start3A_124 = tpu.memref_slice %arg2[%dma_start3A_122, %dma_start3A_123] : memref<10000x128xf32, #tpu.memory_space<hbm>> -> memref<10000x128xf32, #tpu.memory_space<hbm>>
      tpu.enqueue_indirect_dma source(%dma_start3A_124 : memref<10000x128xf32, #tpu.memory_space<hbm>>) target(%arg9 : memref<128x128xf32, #tpu.memory_space<vmem>>) offsets(%dma_start3A_121 : memref<128xi32, #tpu.memory_space<vmem>>) semaphore(%arg12 : memref<!tpu.dma_semaphore, #tpu.memory_space<semaphore_mem>>)
      %scan3A_125 = arith.constant 0 : i32
      scf.yield %scan3A_125 : i32
    }
    %scan3A_51 = arith.constant 20 : i32
    %dma_wait3A_52 = arith.constant 0 : i32
    %dma_wait3A_53 = arith.constant 0 : i32
    %dma_wait3A_54 = tpu.memref_slice %arg8[%dma_wait3A_52, %dma_wait3A_53] : memref<40x128xi32, #tpu.memory_space<vmem>> -> memref<1x128xi32, #tpu.memory_space<vmem>>
    %dma_wait3A_55 = tpu.memref_squeeze %dma_wait3A_54 : memref<1x128xi32, #tpu.memory_space<vmem>> -> memref<128xi32, #tpu.memory_space<vmem>>
    %dma_wait3A_56 = arith.constant 0 : i32
    %dma_wait3A_57 = arith.constant 0 : i32
    %dma_wait3A_58 = tpu.memref_slice %arg11[%dma_wait3A_56, %dma_wait3A_57] : memref<10240x128xf32, #tpu.memory_space<vmem_shared>> -> memref<10240x128xf32, #tpu.memory_space<vmem_shared>>
    tpu.wait_indirect_dma semaphore(%arg15 : memref<!tpu.dma_semaphore, #tpu.memory_space<semaphore_mem>>) src(%arg10 : memref<128x128xf32, #tpu.memory_space<vmem>>) dst(%dma_wait3A_58 : memref<10240x128xf32, #tpu.memory_space<vmem_shared>>)
    %dma_wait3A_59 = arith.constant 0 : i32
    %dma_wait3A_60 = arith.constant 0 : i32
    %dma_wait3A_61 = tpu.memref_slice %arg7[%dma_wait3A_59, %dma_wait3A_60] : memref<40x128xi32, #tpu.memory_space<vmem>> -> memref<1x128xi32, #tpu.memory_space<vmem>>
    %dma_wait3A_62 = tpu.memref_squeeze %dma_wait3A_61 : memref<1x128xi32, #tpu.memory_space<vmem>> -> memref<128xi32, #tpu.memory_space<vmem>>
    %dma_wait3A_63 = arith.constant 0 : i32
    %dma_wait3A_64 = arith.constant 0 : i32
    %dma_wait3A_65 = tpu.memref_slice %arg2[%dma_wait3A_63, %dma_wait3A_64] : memref<10000x128xf32, #tpu.memory_space<hbm>> -> memref<10000x128xf32, #tpu.memory_space<hbm>>
    tpu.wait_indirect_dma semaphore(%arg12 : memref<!tpu.dma_semaphore, #tpu.memory_space<semaphore_mem>>) src(%dma_wait3A_65 : memref<10000x128xf32, #tpu.memory_space<hbm>>) dst(%arg9 : memref<128x128xf32, #tpu.memory_space<vmem>>)
    %barrier3A_66 = arith.constant 0 : index
    tpu.barrier barrier_id(%barrier3A_66)
    "tpu.region"() ({
      %run_scoped3A = tpu.sem_alloc : memref<!tpu.dma_semaphore, #tpu.memory_space<semaphore_mem>>
      %dma_start3A_67 = arith.constant 0 : i32
      %dma_start3A_68 = tpu.memref_slice %arg6[%arg0, %mul3A_2, %dma_start3A_67] : memref<2x10240x128xf32, #tpu.memory_space<hbm>> -> memref<1x640x128xf32, #tpu.memory_space<hbm>>
      %dma_start3A_69 = tpu.memref_squeeze %dma_start3A_68 : memref<1x640x128xf32, #tpu.memory_space<hbm>> -> memref<640x128xf32, #tpu.memory_space<hbm>>
      %dma_start3A_70 = arith.constant 0 : i32
      %dma_start3A_71 = tpu.memref_slice %arg11[%mul3A_2, %dma_start3A_70] : memref<10240x128xf32, #tpu.memory_space<vmem_shared>> -> memref<640x128xf32, #tpu.memory_space<vmem_shared>>
      tpu.enqueue_dma source(%dma_start3A_71 : memref<640x128xf32, #tpu.memory_space<vmem_shared>>) target(%dma_start3A_69 : memref<640x128xf32, #tpu.memory_space<hbm>>) target_semaphore(%run_scoped3A : memref<!tpu.dma_semaphore, #tpu.memory_space<semaphore_mem>>)
      %dma_wait3A_72 = arith.constant 0 : i32
      %dma_wait3A_73 = tpu.memref_slice %arg6[%arg0, %mul3A_2, %dma_wait3A_72] : memref<2x10240x128xf32, #tpu.memory_space<hbm>> -> memref<1x640x128xf32, #tpu.memory_space<hbm>>
      %dma_wait3A_74 = tpu.memref_squeeze %dma_wait3A_73 : memref<1x640x128xf32, #tpu.memory_space<hbm>> -> memref<640x128xf32, #tpu.memory_space<hbm>>
      %dma_wait3A_75 = arith.constant 0 : i32
      %dma_wait3A_76 = tpu.memref_slice %arg11[%mul3A_2, %dma_wait3A_75] : memref<10240x128xf32, #tpu.memory_space<vmem_shared>> -> memref<640x128xf32, #tpu.memory_space<vmem_shared>>
      tpu.wait_dma2 semaphore(%run_scoped3A : memref<!tpu.dma_semaphore, #tpu.memory_space<semaphore_mem>>) src(%dma_wait3A_76 : memref<640x128xf32, #tpu.memory_space<vmem_shared>>) dst(%dma_wait3A_74 : memref<640x128xf32, #tpu.memory_space<hbm>>)
      tpu.yield
    }) : () -> ()
    return
  }
}

#map = affine_map<(d0, d1) -> (0, 0)>
#map1 = affine_map<(d0, d1) -> (0, 0, 0)>
module attributes {stable_mosaic.version = 14 : i64} {
  func.func @_edge_pass(%arg0: i32, %arg1: i32, %arg2: memref<10000x128xf32, #tpu.memory_space<hbm>>, %arg3: memref<32x80x128xi32, #tpu.memory_space<hbm>>, %arg4: memref<32x80x128xi32, #tpu.memory_space<hbm>>, %arg5: memref<128x128xf32, #tpu.memory_space<hbm>>, %arg6: memref<2x10240x128xf32, #tpu.memory_space<hbm>>, %arg7: memref<40x128xi32, #tpu.memory_space<vmem>>, %arg8: memref<40x128xi32, #tpu.memory_space<vmem>>, %arg9: memref<128x128xf32, #tpu.memory_space<vmem>>, %arg10: memref<128x128xf32, #tpu.memory_space<vmem>>, %arg11: memref<10240x128xf32, #tpu.memory_space<vmem_shared>>, %arg12: memref<!tpu.dma_semaphore, #tpu.memory_space<semaphore_mem>>, %arg13: memref<!tpu.dma_semaphore, #tpu.memory_space<semaphore_mem>>, %arg14: memref<!tpu.dma_semaphore, #tpu.memory_space<semaphore_mem>>, %arg15: memref<!tpu.dma_semaphore, #tpu.memory_space<semaphore_mem>>) attributes {dimension_semantics = [#tpu.dimension_semantics<core_parallel>, #tpu.dimension_semantics<subcore_parallel>], iteration_bounds = array<i64: 2, 16>, scalar_prefetch = 0 : i64, scratch_operands = 9 : i64, tpu.core_type = #tpu.core_type<sc_vector_subcore>, window_params = [{transform_indices = #map}, {transform_indices = #map1}, {transform_indices = #map1}, {transform_indices = #map}, {transform_indices = #map1}]} {
    %mul3A = arith.constant 16 : i32
    %mul3A_0 = arith.muli %arg0, %mul3A : i32
    %add3A = arith.addi %mul3A_0, %arg1 : i32
    %mul3A_1 = arith.constant 640 : i32
    %mul3A_2 = arith.muli %arg1, %mul3A_1 : i32
    %add3A_3 = arith.constant 0 : i32
    %add3A_4 = arith.addi %mul3A_2, %add3A_3 : i32
    "tpu.region"() ({
      %run_scoped3A = tpu.sem_alloc : memref<!tpu.dma_semaphore, #tpu.memory_space<semaphore_mem>>
      %dma_start3A_67 = arith.constant 0 : i32
      %dma_start3A_68 = tpu.memref_slice %arg11[%add3A_4, %dma_start3A_67] : memref<10240x128xf32, #tpu.memory_space<vmem_shared>> -> memref<128x128xf32, #tpu.memory_space<vmem_shared>>
      tpu.enqueue_dma source(%arg5 : memref<128x128xf32, #tpu.memory_space<hbm>>) target(%dma_start3A_68 : memref<128x128xf32, #tpu.memory_space<vmem_shared>>) target_semaphore(%run_scoped3A : memref<!tpu.dma_semaphore, #tpu.memory_space<semaphore_mem>>)
      %dma_wait3A_69 = arith.constant 0 : i32
      %dma_wait3A_70 = tpu.memref_slice %arg11[%add3A_4, %dma_wait3A_69] : memref<10240x128xf32, #tpu.memory_space<vmem_shared>> -> memref<128x128xf32, #tpu.memory_space<vmem_shared>>
      tpu.wait_dma2 semaphore(%run_scoped3A : memref<!tpu.dma_semaphore, #tpu.memory_space<semaphore_mem>>) src(%arg5 : memref<128x128xf32, #tpu.memory_space<hbm>>) dst(%dma_wait3A_70 : memref<128x128xf32, #tpu.memory_space<vmem_shared>>)
      tpu.yield
    }) : () -> ()
    %add3A_5 = arith.constant 128 : i32
    %add3A_6 = arith.addi %mul3A_2, %add3A_5 : i32
    "tpu.region"() ({
      %run_scoped3A = tpu.sem_alloc : memref<!tpu.dma_semaphore, #tpu.memory_space<semaphore_mem>>
      %dma_start3A_67 = arith.constant 0 : i32
      %dma_start3A_68 = tpu.memref_slice %arg11[%add3A_6, %dma_start3A_67] : memref<10240x128xf32, #tpu.memory_space<vmem_shared>> -> memref<128x128xf32, #tpu.memory_space<vmem_shared>>
      tpu.enqueue_dma source(%arg5 : memref<128x128xf32, #tpu.memory_space<hbm>>) target(%dma_start3A_68 : memref<128x128xf32, #tpu.memory_space<vmem_shared>>) target_semaphore(%run_scoped3A : memref<!tpu.dma_semaphore, #tpu.memory_space<semaphore_mem>>)
      %dma_wait3A_69 = arith.constant 0 : i32
      %dma_wait3A_70 = tpu.memref_slice %arg11[%add3A_6, %dma_wait3A_69] : memref<10240x128xf32, #tpu.memory_space<vmem_shared>> -> memref<128x128xf32, #tpu.memory_space<vmem_shared>>
      tpu.wait_dma2 semaphore(%run_scoped3A : memref<!tpu.dma_semaphore, #tpu.memory_space<semaphore_mem>>) src(%arg5 : memref<128x128xf32, #tpu.memory_space<hbm>>) dst(%dma_wait3A_70 : memref<128x128xf32, #tpu.memory_space<vmem_shared>>)
      tpu.yield
    }) : () -> ()
    %add3A_7 = arith.constant 256 : i32
    %add3A_8 = arith.addi %mul3A_2, %add3A_7 : i32
    "tpu.region"() ({
      %run_scoped3A = tpu.sem_alloc : memref<!tpu.dma_semaphore, #tpu.memory_space<semaphore_mem>>
      %dma_start3A_67 = arith.constant 0 : i32
      %dma_start3A_68 = tpu.memref_slice %arg11[%add3A_8, %dma_start3A_67] : memref<10240x128xf32, #tpu.memory_space<vmem_shared>> -> memref<128x128xf32, #tpu.memory_space<vmem_shared>>
      tpu.enqueue_dma source(%arg5 : memref<128x128xf32, #tpu.memory_space<hbm>>) target(%dma_start3A_68 : memref<128x128xf32, #tpu.memory_space<vmem_shared>>) target_semaphore(%run_scoped3A : memref<!tpu.dma_semaphore, #tpu.memory_space<semaphore_mem>>)
      %dma_wait3A_69 = arith.constant 0 : i32
      %dma_wait3A_70 = tpu.memref_slice %arg11[%add3A_8, %dma_wait3A_69] : memref<10240x128xf32, #tpu.memory_space<vmem_shared>> -> memref<128x128xf32, #tpu.memory_space<vmem_shared>>
      tpu.wait_dma2 semaphore(%run_scoped3A : memref<!tpu.dma_semaphore, #tpu.memory_space<semaphore_mem>>) src(%arg5 : memref<128x128xf32, #tpu.memory_space<hbm>>) dst(%dma_wait3A_70 : memref<128x128xf32, #tpu.memory_space<vmem_shared>>)
      tpu.yield
    }) : () -> ()
    %add3A_9 = arith.constant 384 : i32
    %add3A_10 = arith.addi %mul3A_2, %add3A_9 : i32
    "tpu.region"() ({
      %run_scoped3A = tpu.sem_alloc : memref<!tpu.dma_semaphore, #tpu.memory_space<semaphore_mem>>
      %dma_start3A_67 = arith.constant 0 : i32
      %dma_start3A_68 = tpu.memref_slice %arg11[%add3A_10, %dma_start3A_67] : memref<10240x128xf32, #tpu.memory_space<vmem_shared>> -> memref<128x128xf32, #tpu.memory_space<vmem_shared>>
      tpu.enqueue_dma source(%arg5 : memref<128x128xf32, #tpu.memory_space<hbm>>) target(%dma_start3A_68 : memref<128x128xf32, #tpu.memory_space<vmem_shared>>) target_semaphore(%run_scoped3A : memref<!tpu.dma_semaphore, #tpu.memory_space<semaphore_mem>>)
      %dma_wait3A_69 = arith.constant 0 : i32
      %dma_wait3A_70 = tpu.memref_slice %arg11[%add3A_10, %dma_wait3A_69] : memref<10240x128xf32, #tpu.memory_space<vmem_shared>> -> memref<128x128xf32, #tpu.memory_space<vmem_shared>>
      tpu.wait_dma2 semaphore(%run_scoped3A : memref<!tpu.dma_semaphore, #tpu.memory_space<semaphore_mem>>) src(%arg5 : memref<128x128xf32, #tpu.memory_space<hbm>>) dst(%dma_wait3A_70 : memref<128x128xf32, #tpu.memory_space<vmem_shared>>)
      tpu.yield
    }) : () -> ()
    %add3A_11 = arith.constant 512 : i32
    %add3A_12 = arith.addi %mul3A_2, %add3A_11 : i32
    "tpu.region"() ({
      %run_scoped3A = tpu.sem_alloc : memref<!tpu.dma_semaphore, #tpu.memory_space<semaphore_mem>>
      %dma_start3A_67 = arith.constant 0 : i32
      %dma_start3A_68 = tpu.memref_slice %arg11[%add3A_12, %dma_start3A_67] : memref<10240x128xf32, #tpu.memory_space<vmem_shared>> -> memref<128x128xf32, #tpu.memory_space<vmem_shared>>
      tpu.enqueue_dma source(%arg5 : memref<128x128xf32, #tpu.memory_space<hbm>>) target(%dma_start3A_68 : memref<128x128xf32, #tpu.memory_space<vmem_shared>>) target_semaphore(%run_scoped3A : memref<!tpu.dma_semaphore, #tpu.memory_space<semaphore_mem>>)
      %dma_wait3A_69 = arith.constant 0 : i32
      %dma_wait3A_70 = tpu.memref_slice %arg11[%add3A_12, %dma_wait3A_69] : memref<10240x128xf32, #tpu.memory_space<vmem_shared>> -> memref<128x128xf32, #tpu.memory_space<vmem_shared>>
      tpu.wait_dma2 semaphore(%run_scoped3A : memref<!tpu.dma_semaphore, #tpu.memory_space<semaphore_mem>>) src(%arg5 : memref<128x128xf32, #tpu.memory_space<hbm>>) dst(%dma_wait3A_70 : memref<128x128xf32, #tpu.memory_space<vmem_shared>>)
      tpu.yield
    }) : () -> ()
    %barrier3A = arith.constant 0 : index
    tpu.barrier barrier_id(%barrier3A)
    "tpu.region"() ({
      %run_scoped3A = tpu.sem_alloc : memref<!tpu.dma_semaphore, #tpu.memory_space<semaphore_mem>>
      %dma_start3A_67 = arith.constant 0 : i32
      %dma_start3A_68 = arith.constant 0 : i32
      %dma_start3A_69 = tpu.memref_slice %arg3[%add3A, %dma_start3A_67, %dma_start3A_68] : memref<32x80x128xi32, #tpu.memory_space<hbm>> -> memref<1x40x128xi32, #tpu.memory_space<hbm>>
      %dma_start3A_70 = tpu.memref_squeeze %dma_start3A_69 : memref<1x40x128xi32, #tpu.memory_space<hbm>> -> memref<40x128xi32, #tpu.memory_space<hbm>>
      %dma_start3A_71 = arith.constant 0 : i32
      %dma_start3A_72 = arith.constant 0 : i32
      %dma_start3A_73 = tpu.memref_slice %arg3[%add3A, %dma_start3A_71, %dma_start3A_72] : memref<32x80x128xi32, #tpu.memory_space<hbm>> -> memref<1x40x128xi32, #tpu.memory_space<hbm>>
      %dma_start3A_74 = tpu.memref_squeeze %dma_start3A_73 : memref<1x40x128xi32, #tpu.memory_space<hbm>> -> memref<40x128xi32, #tpu.memory_space<hbm>>
      tpu.enqueue_dma source(%dma_start3A_74 : memref<40x128xi32, #tpu.memory_space<hbm>>) target(%arg7 : memref<40x128xi32, #tpu.memory_space<vmem>>) target_semaphore(%run_scoped3A : memref<!tpu.dma_semaphore, #tpu.memory_space<semaphore_mem>>)
      %dma_wait3A_75 = arith.constant 0 : i32
      %dma_wait3A_76 = arith.constant 0 : i32
      %dma_wait3A_77 = tpu.memref_slice %arg3[%add3A, %dma_wait3A_75, %dma_wait3A_76] : memref<32x80x128xi32, #tpu.memory_space<hbm>> -> memref<1x40x128xi32, #tpu.memory_space<hbm>>
      %dma_wait3A_78 = tpu.memref_squeeze %dma_wait3A_77 : memref<1x40x128xi32, #tpu.memory_space<hbm>> -> memref<40x128xi32, #tpu.memory_space<hbm>>
      %dma_wait3A_79 = arith.constant 0 : i32
      %dma_wait3A_80 = arith.constant 0 : i32
      %dma_wait3A_81 = tpu.memref_slice %arg3[%add3A, %dma_wait3A_79, %dma_wait3A_80] : memref<32x80x128xi32, #tpu.memory_space<hbm>> -> memref<1x40x128xi32, #tpu.memory_space<hbm>>
      %dma_wait3A_82 = tpu.memref_squeeze %dma_wait3A_81 : memref<1x40x128xi32, #tpu.memory_space<hbm>> -> memref<40x128xi32, #tpu.memory_space<hbm>>
      tpu.wait_dma2 semaphore(%run_scoped3A : memref<!tpu.dma_semaphore, #tpu.memory_space<semaphore_mem>>) src(%dma_wait3A_82 : memref<40x128xi32, #tpu.memory_space<hbm>>) dst(%arg7 : memref<40x128xi32, #tpu.memory_space<vmem>>)
      tpu.yield
    }) : () -> ()
    "tpu.region"() ({
      %run_scoped3A = tpu.sem_alloc : memref<!tpu.dma_semaphore, #tpu.memory_space<semaphore_mem>>
      %dma_start3A_67 = arith.constant 0 : i32
      %dma_start3A_68 = arith.constant 0 : i32
      %dma_start3A_69 = tpu.memref_slice %arg4[%add3A, %dma_start3A_67, %dma_start3A_68] : memref<32x80x128xi32, #tpu.memory_space<hbm>> -> memref<1x40x128xi32, #tpu.memory_space<hbm>>
      %dma_start3A_70 = tpu.memref_squeeze %dma_start3A_69 : memref<1x40x128xi32, #tpu.memory_space<hbm>> -> memref<40x128xi32, #tpu.memory_space<hbm>>
      %dma_start3A_71 = arith.constant 0 : i32
      %dma_start3A_72 = arith.constant 0 : i32
      %dma_start3A_73 = tpu.memref_slice %arg4[%add3A, %dma_start3A_71, %dma_start3A_72] : memref<32x80x128xi32, #tpu.memory_space<hbm>> -> memref<1x40x128xi32, #tpu.memory_space<hbm>>
      %dma_start3A_74 = tpu.memref_squeeze %dma_start3A_73 : memref<1x40x128xi32, #tpu.memory_space<hbm>> -> memref<40x128xi32, #tpu.memory_space<hbm>>
      tpu.enqueue_dma source(%dma_start3A_74 : memref<40x128xi32, #tpu.memory_space<hbm>>) target(%arg8 : memref<40x128xi32, #tpu.memory_space<vmem>>) target_semaphore(%run_scoped3A : memref<!tpu.dma_semaphore, #tpu.memory_space<semaphore_mem>>)
      %dma_wait3A_75 = arith.constant 0 : i32
      %dma_wait3A_76 = arith.constant 0 : i32
      %dma_wait3A_77 = tpu.memref_slice %arg4[%add3A, %dma_wait3A_75, %dma_wait3A_76] : memref<32x80x128xi32, #tpu.memory_space<hbm>> -> memref<1x40x128xi32, #tpu.memory_space<hbm>>
      %dma_wait3A_78 = tpu.memref_squeeze %dma_wait3A_77 : memref<1x40x128xi32, #tpu.memory_space<hbm>> -> memref<40x128xi32, #tpu.memory_space<hbm>>
      %dma_wait3A_79 = arith.constant 0 : i32
      %dma_wait3A_80 = arith.constant 0 : i32
      %dma_wait3A_81 = tpu.memref_slice %arg4[%add3A, %dma_wait3A_79, %dma_wait3A_80] : memref<32x80x128xi32, #tpu.memory_space<hbm>> -> memref<1x40x128xi32, #tpu.memory_space<hbm>>
      %dma_wait3A_82 = tpu.memref_squeeze %dma_wait3A_81 : memref<1x40x128xi32, #tpu.memory_space<hbm>> -> memref<40x128xi32, #tpu.memory_space<hbm>>
      tpu.wait_dma2 semaphore(%run_scoped3A : memref<!tpu.dma_semaphore, #tpu.memory_space<semaphore_mem>>) src(%dma_wait3A_82 : memref<40x128xi32, #tpu.memory_space<hbm>>) dst(%arg8 : memref<40x128xi32, #tpu.memory_space<vmem>>)
      tpu.yield
    }) : () -> ()
    %dma_start3A = arith.constant 0 : i32
    %dma_start3A_13 = arith.constant 0 : i32
    %dma_start3A_14 = tpu.memref_slice %arg7[%dma_start3A, %dma_start3A_13] : memref<40x128xi32, #tpu.memory_space<vmem>> -> memref<1x128xi32, #tpu.memory_space<vmem>>
    %dma_start3A_15 = tpu.memref_squeeze %dma_start3A_14 : memref<1x128xi32, #tpu.memory_space<vmem>> -> memref<128xi32, #tpu.memory_space<vmem>>
    %dma_start3A_16 = arith.constant 0 : i32
    %dma_start3A_17 = arith.constant 0 : i32
    %dma_start3A_18 = tpu.memref_slice %arg2[%dma_start3A_16, %dma_start3A_17] : memref<10000x128xf32, #tpu.memory_space<hbm>> -> memref<10000x128xf32, #tpu.memory_space<hbm>>
    tpu.enqueue_indirect_dma source(%dma_start3A_18 : memref<10000x128xf32, #tpu.memory_space<hbm>>) target(%arg9 : memref<128x128xf32, #tpu.memory_space<vmem>>) offsets(%dma_start3A_15 : memref<128xi32, #tpu.memory_space<vmem>>) semaphore(%arg12 : memref<!tpu.dma_semaphore, #tpu.memory_space<semaphore_mem>>)
    %scan3A = arith.constant 0 : i32
    %scan3A_19 = arith.constant 0 : i32
    %scan3A_20 = arith.constant 20 : i32
    %scan3A_21 = arith.addi %scan3A_19, %scan3A_20 : i32
    %scan3A_22 = arith.constant 1 : i32
    %scan3A_23 = scf.for %scan3A_67 = %scan3A_19 to %scan3A_21 step %scan3A_22 iter_args(%scan3A_68 = %scan3A) -> (i32)  : i32 {
      %mul3A_69 = arith.constant 2 : i32
      %mul3A_70 = arith.muli %mul3A_69, %scan3A_67 : i32
      %mul3A_71 = arith.constant 2 : i32
      %mul3A_72 = arith.muli %mul3A_71, %scan3A_67 : i32
      %add3A_73 = arith.constant 1 : i32
      %add3A_74 = arith.addi %mul3A_72, %add3A_73 : i32
      %dma_wait3A_75 = arith.constant 0 : i32
      %dma_wait3A_76 = arith.constant 0 : i32
      %dma_wait3A_77 = tpu.memref_slice %arg7[%dma_wait3A_75, %dma_wait3A_76] : memref<40x128xi32, #tpu.memory_space<vmem>> -> memref<1x128xi32, #tpu.memory_space<vmem>>
      %dma_wait3A_78 = tpu.memref_squeeze %dma_wait3A_77 : memref<1x128xi32, #tpu.memory_space<vmem>> -> memref<128xi32, #tpu.memory_space<vmem>>
      %dma_wait3A_79 = arith.constant 0 : i32
      %dma_wait3A_80 = arith.constant 0 : i32
      %dma_wait3A_81 = tpu.memref_slice %arg2[%dma_wait3A_79, %dma_wait3A_80] : memref<10000x128xf32, #tpu.memory_space<hbm>> -> memref<10000x128xf32, #tpu.memory_space<hbm>>
      tpu.wait_indirect_dma semaphore(%arg12 : memref<!tpu.dma_semaphore, #tpu.memory_space<semaphore_mem>>) src(%dma_wait3A_81 : memref<10000x128xf32, #tpu.memory_space<hbm>>) dst(%arg9 : memref<128x128xf32, #tpu.memory_space<vmem>>)
      %dma_start3A_82 = arith.constant 0 : i32
      %dma_start3A_83 = tpu.memref_slice %arg8[%mul3A_70, %dma_start3A_82] : memref<40x128xi32, #tpu.memory_space<vmem>> -> memref<1x128xi32, #tpu.memory_space<vmem>>
      %dma_start3A_84 = tpu.memref_squeeze %dma_start3A_83 : memref<1x128xi32, #tpu.memory_space<vmem>> -> memref<128xi32, #tpu.memory_space<vmem>>
      %dma_start3A_85 = arith.constant 0 : i32
      %dma_start3A_86 = arith.constant 0 : i32
      %dma_start3A_87 = tpu.memref_slice %arg11[%dma_start3A_85, %dma_start3A_86] : memref<10240x128xf32, #tpu.memory_space<vmem_shared>> -> memref<10240x128xf32, #tpu.memory_space<vmem_shared>>
      tpu.enqueue_indirect_dma source(%arg9 : memref<128x128xf32, #tpu.memory_space<vmem>>) target(%dma_start3A_87 : memref<10240x128xf32, #tpu.memory_space<vmem_shared>>) offsets(%dma_start3A_84 : memref<128xi32, #tpu.memory_space<vmem>>) semaphore(%arg14 : memref<!tpu.dma_semaphore, #tpu.memory_space<semaphore_mem>>) {add = true}
      %gt3A = arith.constant 0 : i32
      %gt3A_88 = arith.cmpi sgt, %scan3A_67, %gt3A : i32
      %convert_element_type3A = arith.extui %gt3A_88 : i1 to i32
      %cond3A = arith.constant 0 : i32
      %cond3A_89 = arith.cmpi ne, %convert_element_type3A, %cond3A : i32
      scf.if %cond3A_89 {
        %dma_wait3A_126 = arith.constant 0 : i32
        %dma_wait3A_127 = arith.constant 0 : i32
        %dma_wait3A_128 = tpu.memref_slice %arg8[%dma_wait3A_126, %dma_wait3A_127] : memref<40x128xi32, #tpu.memory_space<vmem>> -> memref<1x128xi32, #tpu.memory_space<vmem>>
        %dma_wait3A_129 = tpu.memref_squeeze %dma_wait3A_128 : memref<1x128xi32, #tpu.memory_space<vmem>> -> memref<128xi32, #tpu.memory_space<vmem>>
        %dma_wait3A_130 = arith.constant 0 : i32
        %dma_wait3A_131 = arith.constant 0 : i32
        %dma_wait3A_132 = tpu.memref_slice %arg11[%dma_wait3A_130, %dma_wait3A_131] : memref<10240x128xf32, #tpu.memory_space<vmem_shared>> -> memref<10240x128xf32, #tpu.memory_space<vmem_shared>>
        tpu.wait_indirect_dma semaphore(%arg15 : memref<!tpu.dma_semaphore, #tpu.memory_space<semaphore_mem>>) src(%arg10 : memref<128x128xf32, #tpu.memory_space<vmem>>) dst(%dma_wait3A_132 : memref<10240x128xf32, #tpu.memory_space<vmem_shared>>)
      } else {
      }
      %dma_start3A_90 = arith.constant 0 : i32
      %dma_start3A_91 = tpu.memref_slice %arg7[%add3A_74, %dma_start3A_90] : memref<40x128xi32, #tpu.memory_space<vmem>> -> memref<1x128xi32, #tpu.memory_space<vmem>>
      %dma_start3A_92 = tpu.memref_squeeze %dma_start3A_91 : memref<1x128xi32, #tpu.memory_space<vmem>> -> memref<128xi32, #tpu.memory_space<vmem>>
      %dma_start3A_93 = arith.constant 0 : i32
      %dma_start3A_94 = arith.constant 0 : i32
      %dma_start3A_95 = tpu.memref_slice %arg2[%dma_start3A_93, %dma_start3A_94] : memref<10000x128xf32, #tpu.memory_space<hbm>> -> memref<10000x128xf32, #tpu.memory_space<hbm>>
      tpu.enqueue_indirect_dma source(%dma_start3A_95 : memref<10000x128xf32, #tpu.memory_space<hbm>>) target(%arg10 : memref<128x128xf32, #tpu.memory_space<vmem>>) offsets(%dma_start3A_92 : memref<128xi32, #tpu.memory_space<vmem>>) semaphore(%arg13 : memref<!tpu.dma_semaphore, #tpu.memory_space<semaphore_mem>>)
      %dma_wait3A_96 = arith.constant 0 : i32
      %dma_wait3A_97 = arith.constant 0 : i32
      %dma_wait3A_98 = tpu.memref_slice %arg7[%dma_wait3A_96, %dma_wait3A_97] : memref<40x128xi32, #tpu.memory_space<vmem>> -> memref<1x128xi32, #tpu.memory_space<vmem>>
      %dma_wait3A_99 = tpu.memref_squeeze %dma_wait3A_98 : memref<1x128xi32, #tpu.memory_space<vmem>> -> memref<128xi32, #tpu.memory_space<vmem>>
      %dma_wait3A_100 = arith.constant 0 : i32
      %dma_wait3A_101 = arith.constant 0 : i32
      %dma_wait3A_102 = tpu.memref_slice %arg2[%dma_wait3A_100, %dma_wait3A_101] : memref<10000x128xf32, #tpu.memory_space<hbm>> -> memref<10000x128xf32, #tpu.memory_space<hbm>>
      tpu.wait_indirect_dma semaphore(%arg13 : memref<!tpu.dma_semaphore, #tpu.memory_space<semaphore_mem>>) src(%dma_wait3A_102 : memref<10000x128xf32, #tpu.memory_space<hbm>>) dst(%arg10 : memref<128x128xf32, #tpu.memory_space<vmem>>)
      %dma_start3A_103 = arith.constant 0 : i32
      %dma_start3A_104 = tpu.memref_slice %arg8[%add3A_74, %dma_start3A_103] : memref<40x128xi32, #tpu.memory_space<vmem>> -> memref<1x128xi32, #tpu.memory_space<vmem>>
      %dma_start3A_105 = tpu.memref_squeeze %dma_start3A_104 : memref<1x128xi32, #tpu.memory_space<vmem>> -> memref<128xi32, #tpu.memory_space<vmem>>
      %dma_start3A_106 = arith.constant 0 : i32
      %dma_start3A_107 = arith.constant 0 : i32
      %dma_start3A_108 = tpu.memref_slice %arg11[%dma_start3A_106, %dma_start3A_107] : memref<10240x128xf32, #tpu.memory_space<vmem_shared>> -> memref<10240x128xf32, #tpu.memory_space<vmem_shared>>
      tpu.enqueue_indirect_dma source(%arg10 : memref<128x128xf32, #tpu.memory_space<vmem>>) target(%dma_start3A_108 : memref<10240x128xf32, #tpu.memory_space<vmem_shared>>) offsets(%dma_start3A_105 : memref<128xi32, #tpu.memory_space<vmem>>) semaphore(%arg15 : memref<!tpu.dma_semaphore, #tpu.memory_space<semaphore_mem>>) {add = true}
      %dma_wait3A_109 = arith.constant 0 : i32
      %dma_wait3A_110 = arith.constant 0 : i32
      %dma_wait3A_111 = tpu.memref_slice %arg8[%dma_wait3A_109, %dma_wait3A_110] : memref<40x128xi32, #tpu.memory_space<vmem>> -> memref<1x128xi32, #tpu.memory_space<vmem>>
      %dma_wait3A_112 = tpu.memref_squeeze %dma_wait3A_111 : memref<1x128xi32, #tpu.memory_space<vmem>> -> memref<128xi32, #tpu.memory_space<vmem>>
      %dma_wait3A_113 = arith.constant 0 : i32
      %dma_wait3A_114 = arith.constant 0 : i32
      %dma_wait3A_115 = tpu.memref_slice %arg11[%dma_wait3A_113, %dma_wait3A_114] : memref<10240x128xf32, #tpu.memory_space<vmem_shared>> -> memref<10240x128xf32, #tpu.memory_space<vmem_shared>>
      tpu.wait_indirect_dma semaphore(%arg14 : memref<!tpu.dma_semaphore, #tpu.memory_space<semaphore_mem>>) src(%arg9 : memref<128x128xf32, #tpu.memory_space<vmem>>) dst(%dma_wait3A_115 : memref<10240x128xf32, #tpu.memory_space<vmem_shared>>)
      %add3A_116 = arith.constant 2 : i32
      %add3A_117 = arith.addi %mul3A_70, %add3A_116 : i32
      %min3A = arith.constant 39 : i32
      %min3A_118 = arith.minsi %add3A_117, %min3A : i32
      %dma_start3A_119 = arith.constant 0 : i32
      %dma_start3A_120 = tpu.memref_slice %arg7[%min3A_118, %dma_start3A_119] : memref<40x128xi32, #tpu.memory_space<vmem>> -> memref<1x128xi32, #tpu.memory_space<vmem>>
      %dma_start3A_121 = tpu.memref_squeeze %dma_start3A_120 : memref<1x128xi32, #tpu.memory_space<vmem>> -> memref<128xi32, #tpu.memory_space<vmem>>
      %dma_start3A_122 = arith.constant 0 : i32
      %dma_start3A_123 = arith.constant 0 : i32
      %dma_start3A_124 = tpu.memref_slice %arg2[%dma_start3A_122, %dma_start3A_123] : memref<10000x128xf32, #tpu.memory_space<hbm>> -> memref<10000x128xf32, #tpu.memory_space<hbm>>
      tpu.enqueue_indirect_dma source(%dma_start3A_124 : memref<10000x128xf32, #tpu.memory_space<hbm>>) target(%arg9 : memref<128x128xf32, #tpu.memory_space<vmem>>) offsets(%dma_start3A_121 : memref<128xi32, #tpu.memory_space<vmem>>) semaphore(%arg12 : memref<!tpu.dma_semaphore, #tpu.memory_space<semaphore_mem>>)
      %scan3A_125 = arith.constant 0 : i32
      scf.yield %scan3A_125 : i32
    }
    %scan3A_24 = arith.constant 20 : i32
    %dma_wait3A = arith.constant 0 : i32
    %dma_wait3A_25 = arith.constant 0 : i32
    %dma_wait3A_26 = tpu.memref_slice %arg8[%dma_wait3A, %dma_wait3A_25] : memref<40x128xi32, #tpu.memory_space<vmem>> -> memref<1x128xi32, #tpu.memory_space<vmem>>
    %dma_wait3A_27 = tpu.memref_squeeze %dma_wait3A_26 : memref<1x128xi32, #tpu.memory_space<vmem>> -> memref<128xi32, #tpu.memory_space<vmem>>
    %dma_wait3A_28 = arith.constant 0 : i32
    %dma_wait3A_29 = arith.constant 0 : i32
    %dma_wait3A_30 = tpu.memref_slice %arg11[%dma_wait3A_28, %dma_wait3A_29] : memref<10240x128xf32, #tpu.memory_space<vmem_shared>> -> memref<10240x128xf32, #tpu.memory_space<vmem_shared>>
    tpu.wait_indirect_dma semaphore(%arg15 : memref<!tpu.dma_semaphore, #tpu.memory_space<semaphore_mem>>) src(%arg10 : memref<128x128xf32, #tpu.memory_space<vmem>>) dst(%dma_wait3A_30 : memref<10240x128xf32, #tpu.memory_space<vmem_shared>>)
    %dma_wait3A_31 = arith.constant 0 : i32
    %dma_wait3A_32 = arith.constant 0 : i32
    %dma_wait3A_33 = tpu.memref_slice %arg7[%dma_wait3A_31, %dma_wait3A_32] : memref<40x128xi32, #tpu.memory_space<vmem>> -> memref<1x128xi32, #tpu.memory_space<vmem>>
    %dma_wait3A_34 = tpu.memref_squeeze %dma_wait3A_33 : memref<1x128xi32, #tpu.memory_space<vmem>> -> memref<128xi32, #tpu.memory_space<vmem>>
    %dma_wait3A_35 = arith.constant 0 : i32
    %dma_wait3A_36 = arith.constant 0 : i32
    %dma_wait3A_37 = tpu.memref_slice %arg2[%dma_wait3A_35, %dma_wait3A_36] : memref<10000x128xf32, #tpu.memory_space<hbm>> -> memref<10000x128xf32, #tpu.memory_space<hbm>>
    tpu.wait_indirect_dma semaphore(%arg12 : memref<!tpu.dma_semaphore, #tpu.memory_space<semaphore_mem>>) src(%dma_wait3A_37 : memref<10000x128xf32, #tpu.memory_space<hbm>>) dst(%arg9 : memref<128x128xf32, #tpu.memory_space<vmem>>)
    "tpu.region"() ({
      %run_scoped3A = tpu.sem_alloc : memref<!tpu.dma_semaphore, #tpu.memory_space<semaphore_mem>>
      %dma_start3A_67 = arith.constant 40 : i32
      %dma_start3A_68 = arith.constant 0 : i32
      %dma_start3A_69 = tpu.memref_slice %arg3[%add3A, %dma_start3A_67, %dma_start3A_68] : memref<32x80x128xi32, #tpu.memory_space<hbm>> -> memref<1x40x128xi32, #tpu.memory_space<hbm>>
      %dma_start3A_70 = tpu.memref_squeeze %dma_start3A_69 : memref<1x40x128xi32, #tpu.memory_space<hbm>> -> memref<40x128xi32, #tpu.memory_space<hbm>>
      %dma_start3A_71 = arith.constant 40 : i32
      %dma_start3A_72 = arith.constant 0 : i32
      %dma_start3A_73 = tpu.memref_slice %arg3[%add3A, %dma_start3A_71, %dma_start3A_72] : memref<32x80x128xi32, #tpu.memory_space<hbm>> -> memref<1x40x128xi32, #tpu.memory_space<hbm>>
      %dma_start3A_74 = tpu.memref_squeeze %dma_start3A_73 : memref<1x40x128xi32, #tpu.memory_space<hbm>> -> memref<40x128xi32, #tpu.memory_space<hbm>>
      tpu.enqueue_dma source(%dma_start3A_74 : memref<40x128xi32, #tpu.memory_space<hbm>>) target(%arg7 : memref<40x128xi32, #tpu.memory_space<vmem>>) target_semaphore(%run_scoped3A : memref<!tpu.dma_semaphore, #tpu.memory_space<semaphore_mem>>)
      %dma_wait3A_75 = arith.constant 40 : i32
      %dma_wait3A_76 = arith.constant 0 : i32
      %dma_wait3A_77 = tpu.memref_slice %arg3[%add3A, %dma_wait3A_75, %dma_wait3A_76] : memref<32x80x128xi32, #tpu.memory_space<hbm>> -> memref<1x40x128xi32, #tpu.memory_space<hbm>>
      %dma_wait3A_78 = tpu.memref_squeeze %dma_wait3A_77 : memref<1x40x128xi32, #tpu.memory_space<hbm>> -> memref<40x128xi32, #tpu.memory_space<hbm>>
      %dma_wait3A_79 = arith.constant 40 : i32
      %dma_wait3A_80 = arith.constant 0 : i32
      %dma_wait3A_81 = tpu.memref_slice %arg3[%add3A, %dma_wait3A_79, %dma_wait3A_80] : memref<32x80x128xi32, #tpu.memory_space<hbm>> -> memref<1x40x128xi32, #tpu.memory_space<hbm>>
      %dma_wait3A_82 = tpu.memref_squeeze %dma_wait3A_81 : memref<1x40x128xi32, #tpu.memory_space<hbm>> -> memref<40x128xi32, #tpu.memory_space<hbm>>
      tpu.wait_dma2 semaphore(%run_scoped3A : memref<!tpu.dma_semaphore, #tpu.memory_space<semaphore_mem>>) src(%dma_wait3A_82 : memref<40x128xi32, #tpu.memory_space<hbm>>) dst(%arg7 : memref<40x128xi32, #tpu.memory_space<vmem>>)
      tpu.yield
    }) : () -> ()
    "tpu.region"() ({
      %run_scoped3A = tpu.sem_alloc : memref<!tpu.dma_semaphore, #tpu.memory_space<semaphore_mem>>
      %dma_start3A_67 = arith.constant 40 : i32
      %dma_start3A_68 = arith.constant 0 : i32
      %dma_start3A_69 = tpu.memref_slice %arg4[%add3A, %dma_start3A_67, %dma_start3A_68] : memref<32x80x128xi32, #tpu.memory_space<hbm>> -> memref<1x40x128xi32, #tpu.memory_space<hbm>>
      %dma_start3A_70 = tpu.memref_squeeze %dma_start3A_69 : memref<1x40x128xi32, #tpu.memory_space<hbm>> -> memref<40x128xi32, #tpu.memory_space<hbm>>
      %dma_start3A_71 = arith.constant 40 : i32
      %dma_start3A_72 = arith.constant 0 : i32
      %dma_start3A_73 = tpu.memref_slice %arg4[%add3A, %dma_start3A_71, %dma_start3A_72] : memref<32x80x128xi32, #tpu.memory_space<hbm>> -> memref<1x40x128xi32, #tpu.memory_space<hbm>>
      %dma_start3A_74 = tpu.memref_squeeze %dma_start3A_73 : memref<1x40x128xi32, #tpu.memory_space<hbm>> -> memref<40x128xi32, #tpu.memory_space<hbm>>
      tpu.enqueue_dma source(%dma_start3A_74 : memref<40x128xi32, #tpu.memory_space<hbm>>) target(%arg8 : memref<40x128xi32, #tpu.memory_space<vmem>>) target_semaphore(%run_scoped3A : memref<!tpu.dma_semaphore, #tpu.memory_space<semaphore_mem>>)
      %dma_wait3A_75 = arith.constant 40 : i32
      %dma_wait3A_76 = arith.constant 0 : i32
      %dma_wait3A_77 = tpu.memref_slice %arg4[%add3A, %dma_wait3A_75, %dma_wait3A_76] : memref<32x80x128xi32, #tpu.memory_space<hbm>> -> memref<1x40x128xi32, #tpu.memory_space<hbm>>
      %dma_wait3A_78 = tpu.memref_squeeze %dma_wait3A_77 : memref<1x40x128xi32, #tpu.memory_space<hbm>> -> memref<40x128xi32, #tpu.memory_space<hbm>>
      %dma_wait3A_79 = arith.constant 40 : i32
      %dma_wait3A_80 = arith.constant 0 : i32
      %dma_wait3A_81 = tpu.memref_slice %arg4[%add3A, %dma_wait3A_79, %dma_wait3A_80] : memref<32x80x128xi32, #tpu.memory_space<hbm>> -> memref<1x40x128xi32, #tpu.memory_space<hbm>>
      %dma_wait3A_82 = tpu.memref_squeeze %dma_wait3A_81 : memref<1x40x128xi32, #tpu.memory_space<hbm>> -> memref<40x128xi32, #tpu.memory_space<hbm>>
      tpu.wait_dma2 semaphore(%run_scoped3A : memref<!tpu.dma_semaphore, #tpu.memory_space<semaphore_mem>>) src(%dma_wait3A_82 : memref<40x128xi32, #tpu.memory_space<hbm>>) dst(%arg8 : memref<40x128xi32, #tpu.memory_space<vmem>>)
      tpu.yield
    }) : () -> ()
    %dma_start3A_38 = arith.constant 0 : i32
    %dma_start3A_39 = arith.constant 0 : i32
    %dma_start3A_40 = tpu.memref_slice %arg7[%dma_start3A_38, %dma_start3A_39] : memref<40x128xi32, #tpu.memory_space<vmem>> -> memref<1x128xi32, #tpu.memory_space<vmem>>
    %dma_start3A_41 = tpu.memref_squeeze %dma_start3A_40 : memref<1x128xi32, #tpu.memory_space<vmem>> -> memref<128xi32, #tpu.memory_space<vmem>>
    %dma_start3A_42 = arith.constant 0 : i32
    %dma_start3A_43 = arith.constant 0 : i32
    %dma_start3A_44 = tpu.memref_slice %arg2[%dma_start3A_42, %dma_start3A_43] : memref<10000x128xf32, #tpu.memory_space<hbm>> -> memref<10000x128xf32, #tpu.memory_space<hbm>>
    tpu.enqueue_indirect_dma source(%dma_start3A_44 : memref<10000x128xf32, #tpu.memory_space<hbm>>) target(%arg9 : memref<128x128xf32, #tpu.memory_space<vmem>>) offsets(%dma_start3A_41 : memref<128xi32, #tpu.memory_space<vmem>>) semaphore(%arg12 : memref<!tpu.dma_semaphore, #tpu.memory_space<semaphore_mem>>)
    %scan3A_45 = arith.constant 0 : i32
    %scan3A_46 = arith.constant 0 : i32
    %scan3A_47 = arith.constant 20 : i32
    %scan3A_48 = arith.addi %scan3A_46, %scan3A_47 : i32
    %scan3A_49 = arith.constant 1 : i32
    %scan3A_50 = scf.for %scan3A_67 = %scan3A_46 to %scan3A_48 step %scan3A_49 iter_args(%scan3A_68 = %scan3A_45) -> (i32)  : i32 {
      %mul3A_69 = arith.constant 2 : i32
      %mul3A_70 = arith.muli %mul3A_69, %scan3A_67 : i32
      %mul3A_71 = arith.constant 2 : i32
      %mul3A_72 = arith.muli %mul3A_71, %scan3A_67 : i32
      %add3A_73 = arith.constant 1 : i32
      %add3A_74 = arith.addi %mul3A_72, %add3A_73 : i32
      %dma_wait3A_75 = arith.constant 0 : i32
      %dma_wait3A_76 = arith.constant 0 : i32
      %dma_wait3A_77 = tpu.memref_slice %arg7[%dma_wait3A_75, %dma_wait3A_76] : memref<40x128xi32, #tpu.memory_space<vmem>> -> memref<1x128xi32, #tpu.memory_space<vmem>>
      %dma_wait3A_78 = tpu.memref_squeeze %dma_wait3A_77 : memref<1x128xi32, #tpu.memory_space<vmem>> -> memref<128xi32, #tpu.memory_space<vmem>>
      %dma_wait3A_79 = arith.constant 0 : i32
      %dma_wait3A_80 = arith.constant 0 : i32
      %dma_wait3A_81 = tpu.memref_slice %arg2[%dma_wait3A_79, %dma_wait3A_80] : memref<10000x128xf32, #tpu.memory_space<hbm>> -> memref<10000x128xf32, #tpu.memory_space<hbm>>
      tpu.wait_indirect_dma semaphore(%arg12 : memref<!tpu.dma_semaphore, #tpu.memory_space<semaphore_mem>>) src(%dma_wait3A_81 : memref<10000x128xf32, #tpu.memory_space<hbm>>) dst(%arg9 : memref<128x128xf32, #tpu.memory_space<vmem>>)
      %dma_start3A_82 = arith.constant 0 : i32
      %dma_start3A_83 = tpu.memref_slice %arg8[%mul3A_70, %dma_start3A_82] : memref<40x128xi32, #tpu.memory_space<vmem>> -> memref<1x128xi32, #tpu.memory_space<vmem>>
      %dma_start3A_84 = tpu.memref_squeeze %dma_start3A_83 : memref<1x128xi32, #tpu.memory_space<vmem>> -> memref<128xi32, #tpu.memory_space<vmem>>
      %dma_start3A_85 = arith.constant 0 : i32
      %dma_start3A_86 = arith.constant 0 : i32
      %dma_start3A_87 = tpu.memref_slice %arg11[%dma_start3A_85, %dma_start3A_86] : memref<10240x128xf32, #tpu.memory_space<vmem_shared>> -> memref<10240x128xf32, #tpu.memory_space<vmem_shared>>
      tpu.enqueue_indirect_dma source(%arg9 : memref<128x128xf32, #tpu.memory_space<vmem>>) target(%dma_start3A_87 : memref<10240x128xf32, #tpu.memory_space<vmem_shared>>) offsets(%dma_start3A_84 : memref<128xi32, #tpu.memory_space<vmem>>) semaphore(%arg14 : memref<!tpu.dma_semaphore, #tpu.memory_space<semaphore_mem>>) {add = true}
      %gt3A = arith.constant 0 : i32
      %gt3A_88 = arith.cmpi sgt, %scan3A_67, %gt3A : i32
      %convert_element_type3A = arith.extui %gt3A_88 : i1 to i32
      %cond3A = arith.constant 0 : i32
      %cond3A_89 = arith.cmpi ne, %convert_element_type3A, %cond3A : i32
      scf.if %cond3A_89 {
        %dma_wait3A_126 = arith.constant 0 : i32
        %dma_wait3A_127 = arith.constant 0 : i32
        %dma_wait3A_128 = tpu.memref_slice %arg8[%dma_wait3A_126, %dma_wait3A_127] : memref<40x128xi32, #tpu.memory_space<vmem>> -> memref<1x128xi32, #tpu.memory_space<vmem>>
        %dma_wait3A_129 = tpu.memref_squeeze %dma_wait3A_128 : memref<1x128xi32, #tpu.memory_space<vmem>> -> memref<128xi32, #tpu.memory_space<vmem>>
        %dma_wait3A_130 = arith.constant 0 : i32
        %dma_wait3A_131 = arith.constant 0 : i32
        %dma_wait3A_132 = tpu.memref_slice %arg11[%dma_wait3A_130, %dma_wait3A_131] : memref<10240x128xf32, #tpu.memory_space<vmem_shared>> -> memref<10240x128xf32, #tpu.memory_space<vmem_shared>>
        tpu.wait_indirect_dma semaphore(%arg15 : memref<!tpu.dma_semaphore, #tpu.memory_space<semaphore_mem>>) src(%arg10 : memref<128x128xf32, #tpu.memory_space<vmem>>) dst(%dma_wait3A_132 : memref<10240x128xf32, #tpu.memory_space<vmem_shared>>)
      } else {
      }
      %dma_start3A_90 = arith.constant 0 : i32
      %dma_start3A_91 = tpu.memref_slice %arg7[%add3A_74, %dma_start3A_90] : memref<40x128xi32, #tpu.memory_space<vmem>> -> memref<1x128xi32, #tpu.memory_space<vmem>>
      %dma_start3A_92 = tpu.memref_squeeze %dma_start3A_91 : memref<1x128xi32, #tpu.memory_space<vmem>> -> memref<128xi32, #tpu.memory_space<vmem>>
      %dma_start3A_93 = arith.constant 0 : i32
      %dma_start3A_94 = arith.constant 0 : i32
      %dma_start3A_95 = tpu.memref_slice %arg2[%dma_start3A_93, %dma_start3A_94] : memref<10000x128xf32, #tpu.memory_space<hbm>> -> memref<10000x128xf32, #tpu.memory_space<hbm>>
      tpu.enqueue_indirect_dma source(%dma_start3A_95 : memref<10000x128xf32, #tpu.memory_space<hbm>>) target(%arg10 : memref<128x128xf32, #tpu.memory_space<vmem>>) offsets(%dma_start3A_92 : memref<128xi32, #tpu.memory_space<vmem>>) semaphore(%arg13 : memref<!tpu.dma_semaphore, #tpu.memory_space<semaphore_mem>>)
      %dma_wait3A_96 = arith.constant 0 : i32
      %dma_wait3A_97 = arith.constant 0 : i32
      %dma_wait3A_98 = tpu.memref_slice %arg7[%dma_wait3A_96, %dma_wait3A_97] : memref<40x128xi32, #tpu.memory_space<vmem>> -> memref<1x128xi32, #tpu.memory_space<vmem>>
      %dma_wait3A_99 = tpu.memref_squeeze %dma_wait3A_98 : memref<1x128xi32, #tpu.memory_space<vmem>> -> memref<128xi32, #tpu.memory_space<vmem>>
      %dma_wait3A_100 = arith.constant 0 : i32
      %dma_wait3A_101 = arith.constant 0 : i32
      %dma_wait3A_102 = tpu.memref_slice %arg2[%dma_wait3A_100, %dma_wait3A_101] : memref<10000x128xf32, #tpu.memory_space<hbm>> -> memref<10000x128xf32, #tpu.memory_space<hbm>>
      tpu.wait_indirect_dma semaphore(%arg13 : memref<!tpu.dma_semaphore, #tpu.memory_space<semaphore_mem>>) src(%dma_wait3A_102 : memref<10000x128xf32, #tpu.memory_space<hbm>>) dst(%arg10 : memref<128x128xf32, #tpu.memory_space<vmem>>)
      %dma_start3A_103 = arith.constant 0 : i32
      %dma_start3A_104 = tpu.memref_slice %arg8[%add3A_74, %dma_start3A_103] : memref<40x128xi32, #tpu.memory_space<vmem>> -> memref<1x128xi32, #tpu.memory_space<vmem>>
      %dma_start3A_105 = tpu.memref_squeeze %dma_start3A_104 : memref<1x128xi32, #tpu.memory_space<vmem>> -> memref<128xi32, #tpu.memory_space<vmem>>
      %dma_start3A_106 = arith.constant 0 : i32
      %dma_start3A_107 = arith.constant 0 : i32
      %dma_start3A_108 = tpu.memref_slice %arg11[%dma_start3A_106, %dma_start3A_107] : memref<10240x128xf32, #tpu.memory_space<vmem_shared>> -> memref<10240x128xf32, #tpu.memory_space<vmem_shared>>
      tpu.enqueue_indirect_dma source(%arg10 : memref<128x128xf32, #tpu.memory_space<vmem>>) target(%dma_start3A_108 : memref<10240x128xf32, #tpu.memory_space<vmem_shared>>) offsets(%dma_start3A_105 : memref<128xi32, #tpu.memory_space<vmem>>) semaphore(%arg15 : memref<!tpu.dma_semaphore, #tpu.memory_space<semaphore_mem>>) {add = true}
      %dma_wait3A_109 = arith.constant 0 : i32
      %dma_wait3A_110 = arith.constant 0 : i32
      %dma_wait3A_111 = tpu.memref_slice %arg8[%dma_wait3A_109, %dma_wait3A_110] : memref<40x128xi32, #tpu.memory_space<vmem>> -> memref<1x128xi32, #tpu.memory_space<vmem>>
      %dma_wait3A_112 = tpu.memref_squeeze %dma_wait3A_111 : memref<1x128xi32, #tpu.memory_space<vmem>> -> memref<128xi32, #tpu.memory_space<vmem>>
      %dma_wait3A_113 = arith.constant 0 : i32
      %dma_wait3A_114 = arith.constant 0 : i32
      %dma_wait3A_115 = tpu.memref_slice %arg11[%dma_wait3A_113, %dma_wait3A_114] : memref<10240x128xf32, #tpu.memory_space<vmem_shared>> -> memref<10240x128xf32, #tpu.memory_space<vmem_shared>>
      tpu.wait_indirect_dma semaphore(%arg14 : memref<!tpu.dma_semaphore, #tpu.memory_space<semaphore_mem>>) src(%arg9 : memref<128x128xf32, #tpu.memory_space<vmem>>) dst(%dma_wait3A_115 : memref<10240x128xf32, #tpu.memory_space<vmem_shared>>)
      %add3A_116 = arith.constant 2 : i32
      %add3A_117 = arith.addi %mul3A_70, %add3A_116 : i32
      %min3A = arith.constant 39 : i32
      %min3A_118 = arith.minsi %add3A_117, %min3A : i32
      %dma_start3A_119 = arith.constant 0 : i32
      %dma_start3A_120 = tpu.memref_slice %arg7[%min3A_118, %dma_start3A_119] : memref<40x128xi32, #tpu.memory_space<vmem>> -> memref<1x128xi32, #tpu.memory_space<vmem>>
      %dma_start3A_121 = tpu.memref_squeeze %dma_start3A_120 : memref<1x128xi32, #tpu.memory_space<vmem>> -> memref<128xi32, #tpu.memory_space<vmem>>
      %dma_start3A_122 = arith.constant 0 : i32
      %dma_start3A_123 = arith.constant 0 : i32
      %dma_start3A_124 = tpu.memref_slice %arg2[%dma_start3A_122, %dma_start3A_123] : memref<10000x128xf32, #tpu.memory_space<hbm>> -> memref<10000x128xf32, #tpu.memory_space<hbm>>
      tpu.enqueue_indirect_dma source(%dma_start3A_124 : memref<10000x128xf32, #tpu.memory_space<hbm>>) target(%arg9 : memref<128x128xf32, #tpu.memory_space<vmem>>) offsets(%dma_start3A_121 : memref<128xi32, #tpu.memory_space<vmem>>) semaphore(%arg12 : memref<!tpu.dma_semaphore, #tpu.memory_space<semaphore_mem>>)
      %scan3A_125 = arith.constant 0 : i32
      scf.yield %scan3A_125 : i32
    }
    %scan3A_51 = arith.constant 20 : i32
    %dma_wait3A_52 = arith.constant 0 : i32
    %dma_wait3A_53 = arith.constant 0 : i32
    %dma_wait3A_54 = tpu.memref_slice %arg8[%dma_wait3A_52, %dma_wait3A_53] : memref<40x128xi32, #tpu.memory_space<vmem>> -> memref<1x128xi32, #tpu.memory_space<vmem>>
    %dma_wait3A_55 = tpu.memref_squeeze %dma_wait3A_54 : memref<1x128xi32, #tpu.memory_space<vmem>> -> memref<128xi32, #tpu.memory_space<vmem>>
    %dma_wait3A_56 = arith.constant 0 : i32
    %dma_wait3A_57 = arith.constant 0 : i32
    %dma_wait3A_58 = tpu.memref_slice %arg11[%dma_wait3A_56, %dma_wait3A_57] : memref<10240x128xf32, #tpu.memory_space<vmem_shared>> -> memref<10240x128xf32, #tpu.memory_space<vmem_shared>>
    tpu.wait_indirect_dma semaphore(%arg15 : memref<!tpu.dma_semaphore, #tpu.memory_space<semaphore_mem>>) src(%arg10 : memref<128x128xf32, #tpu.memory_space<vmem>>) dst(%dma_wait3A_58 : memref<10240x128xf32, #tpu.memory_space<vmem_shared>>)
    %dma_wait3A_59 = arith.constant 0 : i32
    %dma_wait3A_60 = arith.constant 0 : i32
    %dma_wait3A_61 = tpu.memref_slice %arg7[%dma_wait3A_59, %dma_wait3A_60] : memref<40x128xi32, #tpu.memory_space<vmem>> -> memref<1x128xi32, #tpu.memory_space<vmem>>
    %dma_wait3A_62 = tpu.memref_squeeze %dma_wait3A_61 : memref<1x128xi32, #tpu.memory_space<vmem>> -> memref<128xi32, #tpu.memory_space<vmem>>
    %dma_wait3A_63 = arith.constant 0 : i32
    %dma_wait3A_64 = arith.constant 0 : i32
    %dma_wait3A_65 = tpu.memref_slice %arg2[%dma_wait3A_63, %dma_wait3A_64] : memref<10000x128xf32, #tpu.memory_space<hbm>> -> memref<10000x128xf32, #tpu.memory_space<hbm>>
    tpu.wait_indirect_dma semaphore(%arg12 : memref<!tpu.dma_semaphore, #tpu.memory_space<semaphore_mem>>) src(%dma_wait3A_65 : memref<10000x128xf32, #tpu.memory_space<hbm>>) dst(%arg9 : memref<128x128xf32, #tpu.memory_space<vmem>>)
    %barrier3A_66 = arith.constant 0 : index
    tpu.barrier barrier_id(%barrier3A_66)
    "tpu.region"() ({
      %run_scoped3A = tpu.sem_alloc : memref<!tpu.dma_semaphore, #tpu.memory_space<semaphore_mem>>
      %dma_start3A_67 = arith.constant 0 : i32
      %dma_start3A_68 = tpu.memref_slice %arg6[%arg0, %mul3A_2, %dma_start3A_67] : memref<2x10240x128xf32, #tpu.memory_space<hbm>> -> memref<1x640x128xf32, #tpu.memory_space<hbm>>
      %dma_start3A_69 = tpu.memref_squeeze %dma_start3A_68 : memref<1x640x128xf32, #tpu.memory_space<hbm>> -> memref<640x128xf32, #tpu.memory_space<hbm>>
      %dma_start3A_70 = arith.constant 0 : i32
      %dma_start3A_71 = tpu.memref_slice %arg11[%mul3A_2, %dma_start3A_70] : memref<10240x128xf32, #tpu.memory_space<vmem_shared>> -> memref<640x128xf32, #tpu.memory_space<vmem_shared>>
      tpu.enqueue_dma source(%dma_start3A_71 : memref<640x128xf32, #tpu.memory_space<vmem_shared>>) target(%dma_start3A_69 : memref<640x128xf32, #tpu.memory_space<hbm>>) target_semaphore(%run_scoped3A : memref<!tpu.dma_semaphore, #tpu.memory_space<semaphore_mem>>)
      %dma_wait3A_72 = arith.constant 0 : i32
      %dma_wait3A_73 = tpu.memref_slice %arg6[%arg0, %mul3A_2, %dma_wait3A_72] : memref<2x10240x128xf32, #tpu.memory_space<hbm>> -> memref<1x640x128xf32, #tpu.memory_space<hbm>>
      %dma_wait3A_74 = tpu.memref_squeeze %dma_wait3A_73 : memref<1x640x128xf32, #tpu.memory_space<hbm>> -> memref<640x128xf32, #tpu.memory_space<hbm>>
      %dma_wait3A_75 = arith.constant 0 : i32
      %dma_wait3A_76 = tpu.memref_slice %arg11[%mul3A_2, %dma_wait3A_75] : memref<10240x128xf32, #tpu.memory_space<vmem_shared>> -> memref<640x128xf32, #tpu.memory_space<vmem_shared>>
      tpu.wait_dma2 semaphore(%run_scoped3A : memref<!tpu.dma_semaphore, #tpu.memory_space<semaphore_mem>>) src(%dma_wait3A_76 : memref<640x128xf32, #tpu.memory_space<vmem_shared>>) dst(%dma_wait3A_74 : memref<640x128xf32, #tpu.memory_space<hbm>>)
      tpu.yield
    }) : () -> ()
    return
  }
}

#map = affine_map<(d0, d1) -> (0, 0, 0)>
#map1 = affine_map<(d0, d1) -> (0, 0)>
module attributes {stable_mosaic.version = 14 : i64} {
  func.func @_deg_hist(%arg0: i32, %arg1: i32, %arg2: memref<32x80x128xi32, #tpu.memory_space<hbm>>, %arg3: memref<128x128xf32, #tpu.memory_space<hbm>>, %arg4: memref<128x128xf32, #tpu.memory_space<hbm>>, %arg5: memref<2x10240x128xf32, #tpu.memory_space<hbm>>, %arg6: memref<80x128xi32, #tpu.memory_space<vmem>>, %arg7: memref<128x128xf32, #tpu.memory_space<vmem>>, %arg8: memref<10240x128xf32, #tpu.memory_space<vmem_shared>>, %arg9: memref<!tpu.dma_semaphore, #tpu.memory_space<semaphore_mem>>) attributes {dimension_semantics = [#tpu.dimension_semantics<core_parallel>, #tpu.dimension_semantics<subcore_parallel>], iteration_bounds = array<i64: 2, 16>, scalar_prefetch = 0 : i64, scratch_operands = 4 : i64, tpu.core_type = #tpu.core_type<sc_vector_subcore>, window_params = [{transform_indices = #map}, {transform_indices = #map1}, {transform_indices = #map1}, {transform_indices = #map}]} {
    %mul3A = arith.constant 16 : i32
    %mul3A_0 = arith.muli %arg0, %mul3A : i32
    %add3A = arith.addi %mul3A_0, %arg1 : i32
    "tpu.region"() ({
      %run_scoped3A = tpu.sem_alloc : memref<!tpu.dma_semaphore, #tpu.memory_space<semaphore_mem>>
      tpu.enqueue_dma source(%arg3 : memref<128x128xf32, #tpu.memory_space<hbm>>) target(%arg7 : memref<128x128xf32, #tpu.memory_space<vmem>>) target_semaphore(%run_scoped3A : memref<!tpu.dma_semaphore, #tpu.memory_space<semaphore_mem>>)
      tpu.wait_dma2 semaphore(%run_scoped3A : memref<!tpu.dma_semaphore, #tpu.memory_space<semaphore_mem>>) src(%arg3 : memref<128x128xf32, #tpu.memory_space<hbm>>) dst(%arg7 : memref<128x128xf32, #tpu.memory_space<vmem>>)
      tpu.yield
    }) : () -> ()
    %mul3A_1 = arith.constant 640 : i32
    %mul3A_2 = arith.muli %arg1, %mul3A_1 : i32
    %add3A_3 = arith.constant 0 : i32
    %add3A_4 = arith.addi %mul3A_2, %add3A_3 : i32
    "tpu.region"() ({
      %run_scoped3A = tpu.sem_alloc : memref<!tpu.dma_semaphore, #tpu.memory_space<semaphore_mem>>
      %dma_start3A = arith.constant 0 : i32
      %dma_start3A_47 = tpu.memref_slice %arg8[%add3A_4, %dma_start3A] : memref<10240x128xf32, #tpu.memory_space<vmem_shared>> -> memref<128x128xf32, #tpu.memory_space<vmem_shared>>
      tpu.enqueue_dma source(%arg4 : memref<128x128xf32, #tpu.memory_space<hbm>>) target(%dma_start3A_47 : memref<128x128xf32, #tpu.memory_space<vmem_shared>>) target_semaphore(%run_scoped3A : memref<!tpu.dma_semaphore, #tpu.memory_space<semaphore_mem>>)
      %dma_wait3A_48 = arith.constant 0 : i32
      %dma_wait3A_49 = tpu.memref_slice %arg8[%add3A_4, %dma_wait3A_48] : memref<10240x128xf32, #tpu.memory_space<vmem_shared>> -> memref<128x128xf32, #tpu.memory_space<vmem_shared>>
      tpu.wait_dma2 semaphore(%run_scoped3A : memref<!tpu.dma_semaphore, #tpu.memory_space<semaphore_mem>>) src(%arg4 : memref<128x128xf32, #tpu.memory_space<hbm>>) dst(%dma_wait3A_49 : memref<128x128xf32, #tpu.memory_space<vmem_shared>>)
      tpu.yield
    }) : () -> ()
    %add3A_5 = arith.constant 128 : i32
    %add3A_6 = arith.addi %mul3A_2, %add3A_5 : i32
    "tpu.region"() ({
      %run_scoped3A = tpu.sem_alloc : memref<!tpu.dma_semaphore, #tpu.memory_space<semaphore_mem>>
      %dma_start3A = arith.constant 0 : i32
      %dma_start3A_47 = tpu.memref_slice %arg8[%add3A_6, %dma_start3A] : memref<10240x128xf32, #tpu.memory_space<vmem_shared>> -> memref<128x128xf32, #tpu.memory_space<vmem_shared>>
      tpu.enqueue_dma source(%arg4 : memref<128x128xf32, #tpu.memory_space<hbm>>) target(%dma_start3A_47 : memref<128x128xf32, #tpu.memory_space<vmem_shared>>) target_semaphore(%run_scoped3A : memref<!tpu.dma_semaphore, #tpu.memory_space<semaphore_mem>>)
      %dma_wait3A_48 = arith.constant 0 : i32
      %dma_wait3A_49 = tpu.memref_slice %arg8[%add3A_6, %dma_wait3A_48] : memref<10240x128xf32, #tpu.memory_space<vmem_shared>> -> memref<128x128xf32, #tpu.memory_space<vmem_shared>>
      tpu.wait_dma2 semaphore(%run_scoped3A : memref<!tpu.dma_semaphore, #tpu.memory_space<semaphore_mem>>) src(%arg4 : memref<128x128xf32, #tpu.memory_space<hbm>>) dst(%dma_wait3A_49 : memref<128x128xf32, #tpu.memory_space<vmem_shared>>)
      tpu.yield
    }) : () -> ()
    %add3A_7 = arith.constant 256 : i32
    %add3A_8 = arith.addi %mul3A_2, %add3A_7 : i32
    "tpu.region"() ({
      %run_scoped3A = tpu.sem_alloc : memref<!tpu.dma_semaphore, #tpu.memory_space<semaphore_mem>>
      %dma_start3A = arith.constant 0 : i32
      %dma_start3A_47 = tpu.memref_slice %arg8[%add3A_8, %dma_start3A] : memref<10240x128xf32, #tpu.memory_space<vmem_shared>> -> memref<128x128xf32, #tpu.memory_space<vmem_shared>>
      tpu.enqueue_dma source(%arg4 : memref<128x128xf32, #tpu.memory_space<hbm>>) target(%dma_start3A_47 : memref<128x128xf32, #tpu.memory_space<vmem_shared>>) target_semaphore(%run_scoped3A : memref<!tpu.dma_semaphore, #tpu.memory_space<semaphore_mem>>)
      %dma_wait3A_48 = arith.constant 0 : i32
      %dma_wait3A_49 = tpu.memref_slice %arg8[%add3A_8, %dma_wait3A_48] : memref<10240x128xf32, #tpu.memory_space<vmem_shared>> -> memref<128x128xf32, #tpu.memory_space<vmem_shared>>
      tpu.wait_dma2 semaphore(%run_scoped3A : memref<!tpu.dma_semaphore, #tpu.memory_space<semaphore_mem>>) src(%arg4 : memref<128x128xf32, #tpu.memory_space<hbm>>) dst(%dma_wait3A_49 : memref<128x128xf32, #tpu.memory_space<vmem_shared>>)
      tpu.yield
    }) : () -> ()
    %add3A_9 = arith.constant 384 : i32
    %add3A_10 = arith.addi %mul3A_2, %add3A_9 : i32
    "tpu.region"() ({
      %run_scoped3A = tpu.sem_alloc : memref<!tpu.dma_semaphore, #tpu.memory_space<semaphore_mem>>
      %dma_start3A = arith.constant 0 : i32
      %dma_start3A_47 = tpu.memref_slice %arg8[%add3A_10, %dma_start3A] : memref<10240x128xf32, #tpu.memory_space<vmem_shared>> -> memref<128x128xf32, #tpu.memory_space<vmem_shared>>
      tpu.enqueue_dma source(%arg4 : memref<128x128xf32, #tpu.memory_space<hbm>>) target(%dma_start3A_47 : memref<128x128xf32, #tpu.memory_space<vmem_shared>>) target_semaphore(%run_scoped3A : memref<!tpu.dma_semaphore, #tpu.memory_space<semaphore_mem>>)
      %dma_wait3A_48 = arith.constant 0 : i32
      %dma_wait3A_49 = tpu.memref_slice %arg8[%add3A_10, %dma_wait3A_48] : memref<10240x128xf32, #tpu.memory_space<vmem_shared>> -> memref<128x128xf32, #tpu.memory_space<vmem_shared>>
      tpu.wait_dma2 semaphore(%run_scoped3A : memref<!tpu.dma_semaphore, #tpu.memory_space<semaphore_mem>>) src(%arg4 : memref<128x128xf32, #tpu.memory_space<hbm>>) dst(%dma_wait3A_49 : memref<128x128xf32, #tpu.memory_space<vmem_shared>>)
      tpu.yield
    }) : () -> ()
    %add3A_11 = arith.constant 512 : i32
    %add3A_12 = arith.addi %mul3A_2, %add3A_11 : i32
    "tpu.region"() ({
      %run_scoped3A = tpu.sem_alloc : memref<!tpu.dma_semaphore, #tpu.memory_space<semaphore_mem>>
      %dma_start3A = arith.constant 0 : i32
      %dma_start3A_47 = tpu.memref_slice %arg8[%add3A_12, %dma_start3A] : memref<10240x128xf32, #tpu.memory_space<vmem_shared>> -> memref<128x128xf32, #tpu.memory_space<vmem_shared>>
      tpu.enqueue_dma source(%arg4 : memref<128x128xf32, #tpu.memory_space<hbm>>) target(%dma_start3A_47 : memref<128x128xf32, #tpu.memory_space<vmem_shared>>) target_semaphore(%run_scoped3A : memref<!tpu.dma_semaphore, #tpu.memory_space<semaphore_mem>>)
      %dma_wait3A_48 = arith.constant 0 : i32
      %dma_wait3A_49 = tpu.memref_slice %arg8[%add3A_12, %dma_wait3A_48] : memref<10240x128xf32, #tpu.memory_space<vmem_shared>> -> memref<128x128xf32, #tpu.memory_space<vmem_shared>>
      tpu.wait_dma2 semaphore(%run_scoped3A : memref<!tpu.dma_semaphore, #tpu.memory_space<semaphore_mem>>) src(%arg4 : memref<128x128xf32, #tpu.memory_space<hbm>>) dst(%dma_wait3A_49 : memref<128x128xf32, #tpu.memory_space<vmem_shared>>)
      tpu.yield
    }) : () -> ()
    "tpu.region"() ({
      %run_scoped3A = tpu.sem_alloc : memref<!tpu.dma_semaphore, #tpu.memory_space<semaphore_mem>>
      %dma_start3A = arith.constant 0 : i32
      %dma_start3A_47 = arith.constant 0 : i32
      %dma_start3A_48 = tpu.memref_slice %arg2[%add3A, %dma_start3A, %dma_start3A_47] : memref<32x80x128xi32, #tpu.memory_space<hbm>> -> memref<1x80x128xi32, #tpu.memory_space<hbm>>
      %dma_start3A_49 = tpu.memref_squeeze %dma_start3A_48 : memref<1x80x128xi32, #tpu.memory_space<hbm>> -> memref<80x128xi32, #tpu.memory_space<hbm>>
      %dma_start3A_50 = arith.constant 0 : i32
      %dma_start3A_51 = arith.constant 0 : i32
      %dma_start3A_52 = tpu.memref_slice %arg2[%add3A, %dma_start3A_50, %dma_start3A_51] : memref<32x80x128xi32, #tpu.memory_space<hbm>> -> memref<1x80x128xi32, #tpu.memory_space<hbm>>
      %dma_start3A_53 = tpu.memref_squeeze %dma_start3A_52 : memref<1x80x128xi32, #tpu.memory_space<hbm>> -> memref<80x128xi32, #tpu.memory_space<hbm>>
      tpu.enqueue_dma source(%dma_start3A_53 : memref<80x128xi32, #tpu.memory_space<hbm>>) target(%arg6 : memref<80x128xi32, #tpu.memory_space<vmem>>) target_semaphore(%run_scoped3A : memref<!tpu.dma_semaphore, #tpu.memory_space<semaphore_mem>>)
      %dma_wait3A_54 = arith.constant 0 : i32
      %dma_wait3A_55 = arith.constant 0 : i32
      %dma_wait3A_56 = tpu.memref_slice %arg2[%add3A, %dma_wait3A_54, %dma_wait3A_55] : memref<32x80x128xi32, #tpu.memory_space<hbm>> -> memref<1x80x128xi32, #tpu.memory_space<hbm>>
      %dma_wait3A_57 = tpu.memref_squeeze %dma_wait3A_56 : memref<1x80x128xi32, #tpu.memory_space<hbm>> -> memref<80x128xi32, #tpu.memory_space<hbm>>
      %dma_wait3A_58 = arith.constant 0 : i32
      %dma_wait3A_59 = arith.constant 0 : i32
      %dma_wait3A_60 = tpu.memref_slice %arg2[%add3A, %dma_wait3A_58, %dma_wait3A_59] : memref<32x80x128xi32, #tpu.memory_space<hbm>> -> memref<1x80x128xi32, #tpu.memory_space<hbm>>
      %dma_wait3A_61 = tpu.memref_squeeze %dma_wait3A_60 : memref<1x80x128xi32, #tpu.memory_space<hbm>> -> memref<80x128xi32, #tpu.memory_space<hbm>>
      tpu.wait_dma2 semaphore(%run_scoped3A : memref<!tpu.dma_semaphore, #tpu.memory_space<semaphore_mem>>) src(%dma_wait3A_61 : memref<80x128xi32, #tpu.memory_space<hbm>>) dst(%arg6 : memref<80x128xi32, #tpu.memory_space<vmem>>)
      tpu.yield
    }) : () -> ()
    %barrier3A = arith.constant 0 : index
    tpu.barrier barrier_id(%barrier3A)
    %scan3A = arith.constant 0 : i32
    %scan3A_13 = arith.constant 0 : i32
    %scan3A_14 = arith.constant 80 : i32
    %scan3A_15 = arith.addi %scan3A_13, %scan3A_14 : i32
    %scan3A_16 = arith.constant 1 : i32
    %scan3A_17 = scf.for %scan3A_47 = %scan3A_13 to %scan3A_15 step %scan3A_16 iter_args(%scan3A_48 = %scan3A) -> (i32)  : i32 {
      %ge3A = arith.constant 4 : i32
      %ge3A_49 = arith.cmpi sge, %scan3A_47, %ge3A : i32
      %convert_element_type3A = arith.extui %ge3A_49 : i1 to i32
      %cond3A = arith.constant 0 : i32
      %cond3A_50 = arith.cmpi ne, %convert_element_type3A, %cond3A : i32
      scf.if %cond3A_50 {
        %dma_wait3A_57 = arith.constant 0 : i32
        %dma_wait3A_58 = arith.constant 0 : i32
        %dma_wait3A_59 = tpu.memref_slice %arg6[%dma_wait3A_57, %dma_wait3A_58] : memref<80x128xi32, #tpu.memory_space<vmem>> -> memref<1x128xi32, #tpu.memory_space<vmem>>
        %dma_wait3A_60 = tpu.memref_squeeze %dma_wait3A_59 : memref<1x128xi32, #tpu.memory_space<vmem>> -> memref<128xi32, #tpu.memory_space<vmem>>
        %dma_wait3A_61 = arith.constant 0 : i32
        %dma_wait3A_62 = arith.constant 0 : i32
        %dma_wait3A_63 = tpu.memref_slice %arg8[%dma_wait3A_61, %dma_wait3A_62] : memref<10240x128xf32, #tpu.memory_space<vmem_shared>> -> memref<10240x128xf32, #tpu.memory_space<vmem_shared>>
        tpu.wait_indirect_dma semaphore(%arg9 : memref<!tpu.dma_semaphore, #tpu.memory_space<semaphore_mem>>) src(%arg7 : memref<128x128xf32, #tpu.memory_space<vmem>>) dst(%dma_wait3A_63 : memref<10240x128xf32, #tpu.memory_space<vmem_shared>>)
      } else {
      }
      %dma_start3A = arith.constant 0 : i32
      %dma_start3A_51 = tpu.memref_slice %arg6[%scan3A_47, %dma_start3A] : memref<80x128xi32, #tpu.memory_space<vmem>> -> memref<1x128xi32, #tpu.memory_space<vmem>>
      %dma_start3A_52 = tpu.memref_squeeze %dma_start3A_51 : memref<1x128xi32, #tpu.memory_space<vmem>> -> memref<128xi32, #tpu.memory_space<vmem>>
      %dma_start3A_53 = arith.constant 0 : i32
      %dma_start3A_54 = arith.constant 0 : i32
      %dma_start3A_55 = tpu.memref_slice %arg8[%dma_start3A_53, %dma_start3A_54] : memref<10240x128xf32, #tpu.memory_space<vmem_shared>> -> memref<10240x128xf32, #tpu.memory_space<vmem_shared>>
      tpu.enqueue_indirect_dma source(%arg7 : memref<128x128xf32, #tpu.memory_space<vmem>>) target(%dma_start3A_55 : memref<10240x128xf32, #tpu.memory_space<vmem_shared>>) offsets(%dma_start3A_52 : memref<128xi32, #tpu.memory_space<vmem>>) semaphore(%arg9 : memref<!tpu.dma_semaphore, #tpu.memory_space<semaphore_mem>>) {add = true}
      %scan3A_56 = arith.constant 0 : i32
      scf.yield %scan3A_56 : i32
    }
    %scan3A_18 = arith.constant 80 : i32
    %dma_wait3A = arith.constant 0 : i32
    %dma_wait3A_19 = arith.constant 0 : i32
    %dma_wait3A_20 = tpu.memref_slice %arg6[%dma_wait3A, %dma_wait3A_19] : memref<80x128xi32, #tpu.memory_space<vmem>> -> memref<1x128xi32, #tpu.memory_space<vmem>>
    %dma_wait3A_21 = tpu.memref_squeeze %dma_wait3A_20 : memref<1x128xi32, #tpu.memory_space<vmem>> -> memref<128xi32, #tpu.memory_space<vmem>>
    %dma_wait3A_22 = arith.constant 0 : i32
    %dma_wait3A_23 = arith.constant 0 : i32
    %dma_wait3A_24 = tpu.memref_slice %arg8[%dma_wait3A_22, %dma_wait3A_23] : memref<10240x128xf32, #tpu.memory_space<vmem_shared>> -> memref<10240x128xf32, #tpu.memory_space<vmem_shared>>
    tpu.wait_indirect_dma semaphore(%arg9 : memref<!tpu.dma_semaphore, #tpu.memory_space<semaphore_mem>>) src(%arg7 : memref<128x128xf32, #tpu.memory_space<vmem>>) dst(%dma_wait3A_24 : memref<10240x128xf32, #tpu.memory_space<vmem_shared>>)
    %dma_wait3A_25 = arith.constant 0 : i32
    %dma_wait3A_26 = arith.constant 0 : i32
    %dma_wait3A_27 = tpu.memref_slice %arg6[%dma_wait3A_25, %dma_wait3A_26] : memref<80x128xi32, #tpu.memory_space<vmem>> -> memref<1x128xi32, #tpu.memory_space<vmem>>
    %dma_wait3A_28 = tpu.memref_squeeze %dma_wait3A_27 : memref<1x128xi32, #tpu.memory_space<vmem>> -> memref<128xi32, #tpu.memory_space<vmem>>
    %dma_wait3A_29 = arith.constant 0 : i32
    %dma_wait3A_30 = arith.constant 0 : i32
    %dma_wait3A_31 = tpu.memref_slice %arg8[%dma_wait3A_29, %dma_wait3A_30] : memref<10240x128xf32, #tpu.memory_space<vmem_shared>> -> memref<10240x128xf32, #tpu.memory_space<vmem_shared>>
    tpu.wait_indirect_dma semaphore(%arg9 : memref<!tpu.dma_semaphore, #tpu.memory_space<semaphore_mem>>) src(%arg7 : memref<128x128xf32, #tpu.memory_space<vmem>>) dst(%dma_wait3A_31 : memref<10240x128xf32, #tpu.memory_space<vmem_shared>>)
    %dma_wait3A_32 = arith.constant 0 : i32
    %dma_wait3A_33 = arith.constant 0 : i32
    %dma_wait3A_34 = tpu.memref_slice %arg6[%dma_wait3A_32, %dma_wait3A_33] : memref<80x128xi32, #tpu.memory_space<vmem>> -> memref<1x128xi32, #tpu.memory_space<vmem>>
    %dma_wait3A_35 = tpu.memref_squeeze %dma_wait3A_34 : memref<1x128xi32, #tpu.memory_space<vmem>> -> memref<128xi32, #tpu.memory_space<vmem>>
    %dma_wait3A_36 = arith.constant 0 : i32
    %dma_wait3A_37 = arith.constant 0 : i32
    %dma_wait3A_38 = tpu.memref_slice %arg8[%dma_wait3A_36, %dma_wait3A_37] : memref<10240x128xf32, #tpu.memory_space<vmem_shared>> -> memref<10240x128xf32, #tpu.memory_space<vmem_shared>>
    tpu.wait_indirect_dma semaphore(%arg9 : memref<!tpu.dma_semaphore, #tpu.memory_space<semaphore_mem>>) src(%arg7 : memref<128x128xf32, #tpu.memory_space<vmem>>) dst(%dma_wait3A_38 : memref<10240x128xf32, #tpu.memory_space<vmem_shared>>)
    %dma_wait3A_39 = arith.constant 0 : i32
    %dma_wait3A_40 = arith.constant 0 : i32
    %dma_wait3A_41 = tpu.memref_slice %arg6[%dma_wait3A_39, %dma_wait3A_40] : memref<80x128xi32, #tpu.memory_space<vmem>> -> memref<1x128xi32, #tpu.memory_space<vmem>>
    %dma_wait3A_42 = tpu.memref_squeeze %dma_wait3A_41 : memref<1x128xi32, #tpu.memory_space<vmem>> -> memref<128xi32, #tpu.memory_space<vmem>>
    %dma_wait3A_43 = arith.constant 0 : i32
    %dma_wait3A_44 = arith.constant 0 : i32
    %dma_wait3A_45 = tpu.memref_slice %arg8[%dma_wait3A_43, %dma_wait3A_44] : memref<10240x128xf32, #tpu.memory_space<vmem_shared>> -> memref<10240x128xf32, #tpu.memory_space<vmem_shared>>
    tpu.wait_indirect_dma semaphore(%arg9 : memref<!tpu.dma_semaphore, #tpu.memory_space<semaphore_mem>>) src(%arg7 : memref<128x128xf32, #tpu.memory_space<vmem>>) dst(%dma_wait3A_45 : memref<10240x128xf32, #tpu.memory_space<vmem_shared>>)
    %barrier3A_46 = arith.constant 0 : index
    tpu.barrier barrier_id(%barrier3A_46)
    "tpu.region"() ({
      %run_scoped3A = tpu.sem_alloc : memref<!tpu.dma_semaphore, #tpu.memory_space<semaphore_mem>>
      %dma_start3A = arith.constant 0 : i32
      %dma_start3A_47 = tpu.memref_slice %arg5[%arg0, %mul3A_2, %dma_start3A] : memref<2x10240x128xf32, #tpu.memory_space<hbm>> -> memref<1x640x128xf32, #tpu.memory_space<hbm>>
      %dma_start3A_48 = tpu.memref_squeeze %dma_start3A_47 : memref<1x640x128xf32, #tpu.memory_space<hbm>> -> memref<640x128xf32, #tpu.memory_space<hbm>>
      %dma_start3A_49 = arith.constant 0 : i32
      %dma_start3A_50 = tpu.memref_slice %arg8[%mul3A_2, %dma_start3A_49] : memref<10240x128xf32, #tpu.memory_space<vmem_shared>> -> memref<640x128xf32, #tpu.memory_space<vmem_shared>>
      tpu.enqueue_dma source(%dma_start3A_50 : memref<640x128xf32, #tpu.memory_space<vmem_shared>>) target(%dma_start3A_48 : memref<640x128xf32, #tpu.memory_space<hbm>>) target_semaphore(%run_scoped3A : memref<!tpu.dma_semaphore, #tpu.memory_space<semaphore_mem>>)
      %dma_wait3A_51 = arith.constant 0 : i32
      %dma_wait3A_52 = tpu.memref_slice %arg5[%arg0, %mul3A_2, %dma_wait3A_51] : memref<2x10240x128xf32, #tpu.memory_space<hbm>> -> memref<1x640x128xf32, #tpu.memory_space<hbm>>
      %dma_wait3A_53 = tpu.memref_squeeze %dma_wait3A_52 : memref<1x640x128xf32, #tpu.memory_space<hbm>> -> memref<640x128xf32, #tpu.memory_space<hbm>>
      %dma_wait3A_54 = arith.constant 0 : i32
      %dma_wait3A_55 = tpu.memref_slice %arg8[%mul3A_2, %dma_wait3A_54] : memref<10240x128xf32, #tpu.memory_space<vmem_shared>> -> memref<640x128xf32, #tpu.memory_space<vmem_shared>>
      tpu.wait_dma2 semaphore(%run_scoped3A : memref<!tpu.dma_semaphore, #tpu.memory_space<semaphore_mem>>) src(%dma_wait3A_55 : memref<640x128xf32, #tpu.memory_space<vmem_shared>>) dst(%dma_wait3A_53 : memref<640x128xf32, #tpu.memory_space<hbm>>)
      tpu.yield
    }) : () -> ()
    return
  }
}

module attributes {stable_mosaic.version = 14 : i64} {
  func.func @_tc1_body(%arg0: i32, %arg1: memref<2x5000x128xf32, #tpu.memory_space<vmem>>, %arg2: memref<5000x128xf32, #tpu.memory_space<vmem>>, %arg3: memref<128x128xf32, #tpu.memory_space<vmem>>, %arg4: memref<5000x128xf32, #tpu.memory_space<vmem>>, %arg5: memref<5000x8xf32, #tpu.memory_space<vmem>>) attributes {dimension_semantics = [#tpu.dimension_semantics<arbitrary>], iteration_bounds = array<i64: 2>, scalar_prefetch = 0 : i64, scratch_operands = 0 : i64, tpu.core_type = #tpu.core_type<tc>, window_params = [{transform_indices = @transform_0, window_bounds = array<i64: 2, 5000, 128>}, {transform_indices = @transform_1, window_bounds = array<i64: 5000, 128>}, {pipeline_mode = #tpu.pipeline_mode<synchronous>, transform_indices = @transform_2, window_bounds = array<i64: 128, 128>}, {transform_indices = @transform_3, window_bounds = array<i64: 5000, 128>}, {transform_indices = @transform_4, window_bounds = array<i64: 5000, 8>}]} {
    %get3A = arith.constant 0 : index
    %get3A_0 = arith.constant 0 : index
    %get3A_1 = arith.constant 0 : index
    %get3A_2 = vector.load %arg1[%get3A, %get3A_0, %get3A_1] : memref<2x5000x128xf32, #tpu.memory_space<vmem>>, vector<2x5000x128xf32>
    %slice3A = vector.extract_strided_slice %get3A_2 {offsets = [0, 0, 0], sizes = [1, 5000, 1], strides = [1, 1, 1]} : vector<2x5000x128xf32> to vector<1x5000x1xf32>
    %squeeze3A = vector.shape_cast %slice3A : vector<1x5000x1xf32> to vector<5000xf32>
    %slice3A_3 = vector.extract_strided_slice %get3A_2 {offsets = [1, 0, 0], sizes = [1, 5000, 1], strides = [1, 1, 1]} : vector<2x5000x128xf32> to vector<1x5000x1xf32>
    %squeeze3A_4 = vector.shape_cast %slice3A_3 : vector<1x5000x1xf32> to vector<5000xf32>
    %add3A = arith.addf %squeeze3A, %squeeze3A_4 : vector<5000xf32>
    %gt3A = arith.constant 0.000000e+00 : f32
    %gt3A_5 = vector.broadcast %gt3A : f32 to vector<5000xf32>
    %gt3A_6 = arith.cmpf ogt, %add3A, %gt3A_5 : vector<5000xf32>
    %max3A = arith.constant 1.000000e+00 : f32
    %max3A_7 = vector.broadcast %max3A : f32 to vector<5000xf32>
    %max3A_8 = arith.maximumf %add3A, %max3A_7 : vector<5000xf32>
    %sqrt3A = math.sqrt %max3A_8 : vector<5000xf32>
    %div3A = arith.constant 1.000000e+00 : f32
    %div3A_9 = vector.broadcast %div3A : f32 to vector<5000xf32>
    %div3A_10 = arith.divf %div3A_9, %sqrt3A : vector<5000xf32>
    %jit3A = arith.constant 0.000000e+00 : f32
    %broadcast_in_dim3A = vector.broadcast %jit3A : f32 to vector<5000xf32>
    %select_n3A = arith.select %gt3A_6, %div3A_10, %broadcast_in_dim3A : vector<5000xi1>, vector<5000xf32>
    %get3A_11 = arith.constant 0 : index
    %get3A_12 = arith.constant 0 : index
    %get3A_13 = vector.load %arg2[%get3A_11, %get3A_12] : memref<5000x128xf32, #tpu.memory_space<vmem>>, vector<5000x128xf32>
    %get3A_14 = arith.constant 0 : index
    %get3A_15 = arith.constant 0 : index
    %get3A_16 = vector.load %arg3[%get3A_14, %get3A_15] : memref<128x128xf32, #tpu.memory_space<vmem>>, vector<128x128xf32>
    %dot_general3A = arith.constant dense<0.000000e+00> : vector<5000x128xf32>
    %dot_general3A_17 = tpu.matmul %get3A_13, %get3A_16, %dot_general3A {dimension_numbers = #tpu.dot_dimension_numbers<[1], [0], [0], [1], [0, 0, 1, 1], [], []>, transpose_lhs_hint = false} : vector<5000x128xf32>, vector<128x128xf32>, vector<5000x128xf32> -> vector<5000x128xf32>
    %broadcast_in_dim3A_18 = vector.shape_cast %select_n3A : vector<5000xf32> to vector<5000x1xf32>
    %mul3A = vector.broadcast %broadcast_in_dim3A_18 : vector<5000x1xf32> to vector<5000x128xf32>
    %mul3A_19 = arith.mulf %dot_general3A_17, %mul3A : vector<5000x128xf32>
    %swap3A = arith.constant 0 : index
    %swap3A_20 = arith.constant 0 : index
    %swap3A_21 = vector.load %arg4[%swap3A, %swap3A_20] : memref<5000x128xf32, #tpu.memory_space<vmem>>, vector<5000x128xf32>
    tpu.vector_store %arg4[%swap3A, %swap3A_20], %mul3A_19 {strides = array<i32>} : memref<5000x128xf32, #tpu.memory_space<vmem>>, vector<5000x128xf32>,
    %broadcast_in_dim3A_22 = vector.shape_cast %select_n3A : vector<5000xf32> to vector<5000x1xf32>
    %broadcast_in_dim3A_23 = vector.shape_cast %broadcast_in_dim3A_22 : vector<5000x1xf32> to vector<5000x1xf32>
    %broadcast_in_dim3A_24 = vector.broadcast %broadcast_in_dim3A_23 : vector<5000x1xf32> to vector<5000x8xf32>
    %swap3A_25 = arith.constant 0 : index
    %swap3A_26 = arith.constant 0 : index
    %swap3A_27 = vector.load %arg5[%swap3A_25, %swap3A_26] : memref<5000x8xf32, #tpu.memory_space<vmem>>, vector<5000x8xf32>
    tpu.vector_store %arg5[%swap3A_25, %swap3A_26], %broadcast_in_dim3A_24 {strides = array<i32>} : memref<5000x8xf32, #tpu.memory_space<vmem>>, vector<5000x8xf32>,
    return
  }
  func.func @transform_0(%arg0: i32) -> (i32, i32, i32) {
    %c0_i32 = arith.constant 0 : i32
    %c0_i32_0 = arith.constant 0 : i32
    %c0_i32_1 = arith.constant 0 : i32
    return %c0_i32, %arg0, %c0_i32_0 : i32, i32, i32
  }
  func.func @transform_1(%arg0: i32) -> (i32, i32) {
    %c0_i32 = arith.constant 0 : i32
    %c0_i32_0 = arith.constant 0 : i32
    return %arg0, %c0_i32 : i32, i32
  }
  func.func @transform_2(%arg0: i32) -> (i32, i32) {
    %c0_i32 = arith.constant 0 : i32
    %c0_i32_0 = arith.constant 0 : i32
    %c0_i32_1 = arith.constant 0 : i32
    return %c0_i32, %c0_i32_0 : i32, i32
  }
  func.func @transform_3(%arg0: i32) -> (i32, i32) {
    %c0_i32 = arith.constant 0 : i32
    %c0_i32_0 = arith.constant 0 : i32
    return %arg0, %c0_i32 : i32, i32
  }
  func.func @transform_4(%arg0: i32) -> (i32, i32) {
    %c0_i32 = arith.constant 0 : i32
    %c0_i32_0 = arith.constant 0 : i32
    return %arg0, %c0_i32 : i32, i32
  }
}

module attributes {stable_mosaic.version = 14 : i64} {
  func.func @_tc2_body(%arg0: i32, %arg1: memref<2x5000x128xf32, #tpu.memory_space<vmem>>, %arg2: memref<5000x8xf32, #tpu.memory_space<vmem>>, %arg3: memref<1x128xf32, #tpu.memory_space<vmem>>, %arg4: memref<128x128xf32, #tpu.memory_space<vmem>>, %arg5: memref<5000x128xf32, #tpu.memory_space<vmem>>) attributes {dimension_semantics = [#tpu.dimension_semantics<arbitrary>], iteration_bounds = array<i64: 2>, scalar_prefetch = 0 : i64, scratch_operands = 0 : i64, tpu.core_type = #tpu.core_type<tc>, window_params = [{transform_indices = @transform_0, window_bounds = array<i64: 2, 5000, 128>}, {transform_indices = @transform_1, window_bounds = array<i64: 5000, 8>}, {pipeline_mode = #tpu.pipeline_mode<synchronous>, transform_indices = @transform_2, window_bounds = array<i64: 1, 128>}, {pipeline_mode = #tpu.pipeline_mode<synchronous>, transform_indices = @transform_3, window_bounds = array<i64: 128, 128>}, {transform_indices = @transform_4, window_bounds = array<i64: 5000, 128>}]} {
    %get3A = arith.constant 0 : index
    %get3A_0 = arith.constant 0 : index
    %get3A_1 = vector.load %arg2[%get3A, %get3A_0] : memref<5000x8xf32, #tpu.memory_space<vmem>>, vector<5000x1xf32>
    %get3A_2 = vector.shape_cast %get3A_1 : vector<5000x1xf32> to vector<5000xf32>
    %get3A_3 = arith.constant 0 : index
    %get3A_4 = arith.constant 0 : index
    %get3A_5 = arith.constant 0 : index
    %get3A_6 = vector.load %arg1[%get3A_3, %get3A_4, %get3A_5] : memref<2x5000x128xf32, #tpu.memory_space<vmem>>, vector<1x5000x128xf32>
    %get3A_7 = vector.shape_cast %get3A_6 : vector<1x5000x128xf32> to vector<5000x128xf32>
    %get3A_8 = arith.constant 1 : index
    %get3A_9 = arith.constant 0 : index
    %get3A_10 = arith.constant 0 : index
    %get3A_11 = vector.load %arg1[%get3A_8, %get3A_9, %get3A_10] : memref<2x5000x128xf32, #tpu.memory_space<vmem>>, vector<1x5000x128xf32>
    %get3A_12 = vector.shape_cast %get3A_11 : vector<1x5000x128xf32> to vector<5000x128xf32>
    %add3A = arith.addf %get3A_7, %get3A_12 : vector<5000x128xf32>
    %broadcast_in_dim3A = vector.shape_cast %get3A_2 : vector<5000xf32> to vector<5000x1xf32>
    %mul3A = vector.broadcast %broadcast_in_dim3A : vector<5000x1xf32> to vector<5000x128xf32>
    %mul3A_13 = arith.mulf %add3A, %mul3A : vector<5000x128xf32>
    %get3A_14 = arith.constant 0 : index
    %get3A_15 = arith.constant 0 : index
    %get3A_16 = vector.load %arg3[%get3A_14, %get3A_15] : memref<1x128xf32, #tpu.memory_space<vmem>>, vector<1x128xf32>
    %add3A_17 = vector.broadcast %get3A_16 : vector<1x128xf32> to vector<5000x128xf32>
    %add3A_18 = arith.addf %mul3A_13, %add3A_17 : vector<5000x128xf32>
    %max3A = arith.constant 0.000000e+00 : f32
    %max3A_19 = vector.broadcast %max3A : f32 to vector<5000x128xf32>
    %max3A_20 = arith.maximumf %add3A_18, %max3A_19 : vector<5000x128xf32>
    %get3A_21 = arith.constant 0 : index
    %get3A_22 = arith.constant 0 : index
    %get3A_23 = vector.load %arg4[%get3A_21, %get3A_22] : memref<128x128xf32, #tpu.memory_space<vmem>>, vector<128x128xf32>
    %dot_general3A = arith.constant dense<0.000000e+00> : vector<5000x128xf32>
    %dot_general3A_24 = tpu.matmul %max3A_20, %get3A_23, %dot_general3A {dimension_numbers = #tpu.dot_dimension_numbers<[1], [0], [0], [1], [0, 0, 1, 1], [], []>, transpose_lhs_hint = false} : vector<5000x128xf32>, vector<128x128xf32>, vector<5000x128xf32> -> vector<5000x128xf32>
    %broadcast_in_dim3A_25 = vector.shape_cast %get3A_2 : vector<5000xf32> to vector<5000x1xf32>
    %mul3A_26 = vector.broadcast %broadcast_in_dim3A_25 : vector<5000x1xf32> to vector<5000x128xf32>
    %mul3A_27 = arith.mulf %dot_general3A_24, %mul3A_26 : vector<5000x128xf32>
    %swap3A = arith.constant 0 : index
    %swap3A_28 = arith.constant 0 : index
    %swap3A_29 = vector.load %arg5[%swap3A, %swap3A_28] : memref<5000x128xf32, #tpu.memory_space<vmem>>, vector<5000x128xf32>
    tpu.vector_store %arg5[%swap3A, %swap3A_28], %mul3A_27 {strides = array<i32>} : memref<5000x128xf32, #tpu.memory_space<vmem>>, vector<5000x128xf32>,
    return
  }
  func.func @transform_0(%arg0: i32) -> (i32, i32, i32) {
    %c0_i32 = arith.constant 0 : i32
    %c0_i32_0 = arith.constant 0 : i32
    %c0_i32_1 = arith.constant 0 : i32
    return %c0_i32, %arg0, %c0_i32_0 : i32, i32, i32
  }
  func.func @transform_1(%arg0: i32) -> (i32, i32) {
    %c0_i32 = arith.constant 0 : i32
    %c0_i32_0 = arith.constant 0 : i32
    return %arg0, %c0_i32 : i32, i32
  }
  func.func @transform_2(%arg0: i32) -> (i32, i32) {
    %c0_i32 = arith.constant 0 : i32
    %c0_i32_0 = arith.constant 0 : i32
    %c0_i32_1 = arith.constant 0 : i32
    return %c0_i32, %c0_i32_0 : i32, i32
  }
  func.func @transform_3(%arg0: i32) -> (i32, i32) {
    %c0_i32 = arith.constant 0 : i32
    %c0_i32_0 = arith.constant 0 : i32
    %c0_i32_1 = arith.constant 0 : i32
    return %c0_i32, %c0_i32_0 : i32, i32
  }
  func.func @transform_4(%arg0: i32) -> (i32, i32) {
    %c0_i32 = arith.constant 0 : i32
    %c0_i32_0 = arith.constant 0 : i32
    return %arg0, %c0_i32 : i32, i32
  }
}

module attributes {stable_mosaic.version = 14 : i64} {
  func.func @_tc3_body(%arg0: i32, %arg1: memref<2x5000x128xf32, #tpu.memory_space<vmem>>, %arg2: memref<5000x8xf32, #tpu.memory_space<vmem>>, %arg3: memref<1x128xf32, #tpu.memory_space<vmem>>, %arg4: memref<5000x128xf32, #tpu.memory_space<vmem>>) attributes {dimension_semantics = [#tpu.dimension_semantics<arbitrary>], iteration_bounds = array<i64: 2>, scalar_prefetch = 0 : i64, scratch_operands = 0 : i64, tpu.core_type = #tpu.core_type<tc>, window_params = [{transform_indices = @transform_0, window_bounds = array<i64: 2, 5000, 128>}, {transform_indices = @transform_1, window_bounds = array<i64: 5000, 8>}, {pipeline_mode = #tpu.pipeline_mode<synchronous>, transform_indices = @transform_2, window_bounds = array<i64: 1, 128>}, {transform_indices = @transform_3, window_bounds = array<i64: 5000, 128>}]} {
    %get3A = arith.constant 0 : index
    %get3A_0 = arith.constant 0 : index
    %get3A_1 = vector.load %arg2[%get3A, %get3A_0] : memref<5000x8xf32, #tpu.memory_space<vmem>>, vector<5000x1xf32>
    %get3A_2 = vector.shape_cast %get3A_1 : vector<5000x1xf32> to vector<5000xf32>
    %get3A_3 = arith.constant 0 : index
    %get3A_4 = arith.constant 0 : index
    %get3A_5 = arith.constant 0 : index
    %get3A_6 = vector.load %arg1[%get3A_3, %get3A_4, %get3A_5] : memref<2x5000x128xf32, #tpu.memory_space<vmem>>, vector<1x5000x128xf32>
    %get3A_7 = vector.shape_cast %get3A_6 : vector<1x5000x128xf32> to vector<5000x128xf32>
    %get3A_8 = arith.constant 1 : index
    %get3A_9 = arith.constant 0 : index
    %get3A_10 = arith.constant 0 : index
    %get3A_11 = vector.load %arg1[%get3A_8, %get3A_9, %get3A_10] : memref<2x5000x128xf32, #tpu.memory_space<vmem>>, vector<1x5000x128xf32>
    %get3A_12 = vector.shape_cast %get3A_11 : vector<1x5000x128xf32> to vector<5000x128xf32>
    %add3A = arith.addf %get3A_7, %get3A_12 : vector<5000x128xf32>
    %broadcast_in_dim3A = vector.shape_cast %get3A_2 : vector<5000xf32> to vector<5000x1xf32>
    %mul3A = vector.broadcast %broadcast_in_dim3A : vector<5000x1xf32> to vector<5000x128xf32>
    %mul3A_13 = arith.mulf %add3A, %mul3A : vector<5000x128xf32>
    %get3A_14 = arith.constant 0 : index
    %get3A_15 = arith.constant 0 : index
    %get3A_16 = vector.load %arg3[%get3A_14, %get3A_15] : memref<1x128xf32, #tpu.memory_space<vmem>>, vector<1x128xf32>
    %add3A_17 = vector.broadcast %get3A_16 : vector<1x128xf32> to vector<5000x128xf32>
    %add3A_18 = arith.addf %mul3A_13, %add3A_17 : vector<5000x128xf32>
    %max3A = arith.constant 0.000000e+00 : f32
    %max3A_19 = vector.broadcast %max3A : f32 to vector<5000x128xf32>
    %max3A_20 = arith.maximumf %add3A_18, %max3A_19 : vector<5000x128xf32>
    %swap3A = arith.constant 0 : index
    %swap3A_21 = arith.constant 0 : index
    %swap3A_22 = vector.load %arg4[%swap3A, %swap3A_21] : memref<5000x128xf32, #tpu.memory_space<vmem>>, vector<5000x128xf32>
    tpu.vector_store %arg4[%swap3A, %swap3A_21], %max3A_20 {strides = array<i32>} : memref<5000x128xf32, #tpu.memory_space<vmem>>, vector<5000x128xf32>,
    return
  }
  func.func @transform_0(%arg0: i32) -> (i32, i32, i32) {
    %c0_i32 = arith.constant 0 : i32
    %c0_i32_0 = arith.constant 0 : i32
    %c0_i32_1 = arith.constant 0 : i32
    return %c0_i32, %arg0, %c0_i32_0 : i32, i32, i32
  }
  func.func @transform_1(%arg0: i32) -> (i32, i32) {
    %c0_i32 = arith.constant 0 : i32
    %c0_i32_0 = arith.constant 0 : i32
    return %arg0, %c0_i32 : i32, i32
  }
  func.func @transform_2(%arg0: i32) -> (i32, i32) {
    %c0_i32 = arith.constant 0 : i32
    %c0_i32_0 = arith.constant 0 : i32
    %c0_i32_1 = arith.constant 0 : i32
    return %c0_i32, %c0_i32_0 : i32, i32
  }
  func.func @transform_3(%arg0: i32) -> (i32, i32) {
    %c0_i32 = arith.constant 0 : i32
    %c0_i32_0 = arith.constant 0 : i32
    return %arg0, %c0_i32 : i32, i32
  }
}

</mosaic_0001>

<sc_bundles>
// kernel: kernel.11.cloned.1.call-start
scs
__scs_entry_jumppad:
0x0: {  	(pc) =	sbr.rel $0x88, $3  }
0x1: {  	(tag) =	ssettag $0x0;
	lr =	simm.s32 $0x1  }
0x2: {  	[smem:$0x3F9B] =	sst lr;
	_ =	strace $0xD0000000  }
0x3: {  	_ = 	snop  }
0x4: {  	_ = 	snop  }
0x5: {  	_ = 	snop  }
0x6: {  	_ = 	snop  }
0x7: {  	_ = 	snop  }
__scs_overlays_trampoline_lowered:
0x8: {  	[smem:$0x3FAA] =	sst s0  }
0x9: {  	[smem:$0x3FAB] =	sst s1  }
0xa: {  	[smem:$0x3FAC] =	sst s2  }
0xb: {  	[smem:$0x3FAD] =	sst s3  }
0xc: {  	[smem:$0x3FAE] =	sst s4  }
0xd: {  	[smem:$0x3FAF] =	sst s5  }
0xe: {  	[smem:$0x3FB0] =	sst s6  }
0xf: {  	[smem:$0x3FB1] =	sst s7  }
0x10: {  	[smem:$0x3FB2] =	sst s8  }
0x11: {  	[smem:$0x3FB3] =	sst s9;
	s0 =	simm.s32 @!p0 $0x0  }
0x12: {  	s1 =	sld [smem:$0x3F99];
	s0 =	simm.s32 @p0 $0x1  }
0x13: {  	[smem:$0x3FB4] =	sst s0;
	s0 =	simm.s32 @!p1 $0x0  }
0x14: {  	s2 =	sld [smem:$0x3F98];
	s0 =	simm.s32 @p1 $0x1  }
0x15: {  	[smem:$0x3FB5] =	sst s0;
	s0 =	simm.s32 @!p2 $0x0  }
0x16: {  	s3 =	sld [smem:$0x3FDB];
	s0 =	simm.s32 @p2 $0x1  }
0x17: {  	s4 =	simm.s32 $0x1BF5;
	[smem:$0x3FB7] =	sst s0  }
0x18: {  	s0 =	sld [smem:$0x3F9A];
	_ =	swait.ge [sflag:s4], $0x0  }
0x19: {  	s7 =	sld [smem:$0x3F9B]  }
0x1a: {  	s8 =	sadd.s32 $0xFFFFE003, lr  }
0x1b: {  	s9 =	sadd.s32 $0xFFFFFEF7, lr;
	s5 =	simm.s32 $0xFFFFFFFF;
	p2 =	slt.u32 s8, $0xFFFFF086  }
0x1c: {  	p1 =	slt.u32 s9, $0xF7A;
	s5 =	simm.s32 @!p2 $0x0  }
0x1d: {  	s5 =	simm.s32 @p1 $0x1;
	p0 =	seq.s32 s7, s2  }
0x1e: {  	s7 =	smul.u32 @!p0 $0xF7A, s2;
	p2 =	seq.s32 @!p0 s5, $0x0  }
0x1f: {  	s9 =	smul.u32 $0xF7A, s1;
	s8 =	simm.s32 @!p0 $0x1BF5;
	p2 =	por !p2, p0  }
0x20: {  	[sflag:s8] =	ssyncset.s32 @!p0 $0xFFFFF086;
	s6 =	sadd.s32 @!p0 s3, s7;
	s7 =	simm.s32 @!p0 $0x108  }
0x21: {  	s3 =	sadd.s32 s3, s9;
	s6 =	sadd.s32 @!p0 $0x88, s6;
	s7 =	simm.s32 @p2 $0x1082  }
0x22: {  	[simem:s7], [sflag:s8] =	dma.local @!p0 [hbm:s6], $0xF7A  }
0x23: {  	s9 =	sor.u32 $0xD0000000, s2;
	s6 =	simm.s32 $0x108;
	_ =	swait.ge @!p0 [sflag:s8], $0x0  }
0x24: {  	s3 =	sadd.s32 $0x88, s3;
	s6 =	simm.s32 @!p1 $0x1082;
	[sflag:s4] =	ssyncset.s32 $0xFFFFF086  }
0x25: {  	[simem:s6], [sflag:s4] =	dma.local [hbm:s3], $0xF7A  }
0x26: {  	[smem:$0x3F9B] =	sst s1;
	(tag) =	ssettag s2;
	_ =	strace s9  }
0x27: {  	s1 =	sld [smem:$0x3FAB]  }
0x28: {  	s2 =	sld [smem:$0x3FAC]  }
0x29: {  	s4 =	sld [smem:$0x3FAE]  }
0x2a: {  	p0 =	seq.s32 s5, $0x0;
	s5 =	sld [smem:$0x3FAF]  }
0x2b: {  	s6 =	sld [smem:$0x3FB0]  }
0x2c: {  	s7 =	sld [smem:$0x3FB1]  }
0x2d: {  	s3 =	simm.s32 $0x108;
	s8 =	sld [smem:$0x3FB2]  }
0x2e: {  	s3 =	simm.s32 @!p0 $0x1082;
	s9 =	sld [smem:$0x3FB3]  }
0x2f: {  	lr =	sadd.s32 s0, s3;
	s0 =	sld [smem:$0x3FAA]  }
0x30: {  	s3 =	sld [smem:$0x3FAD]  }
0x31: {  	[smem:$0x3FB6] =	sst s10  }
0x32: {  	s10 =	sld [smem:$0x3FB4];
	_ =	sdelay $0x3  }
0x33: {  	p0 =	seq.s32 s10, $0x1;
	s10 =	sld [smem:$0x3FB6];
	_ =	sdelay $0x3  }
0x34: {  	[smem:$0x3FB6] =	sst s10  }
0x35: {  	s10 =	sld [smem:$0x3FB5];
	_ =	sdelay $0x3  }
0x36: {  	p1 =	seq.s32 s10, $0x1;
	s10 =	sld [smem:$0x3FB6];
	_ =	sdelay $0x3  }
0x37: {  	[smem:$0x3FB6] =	sst s10  }
0x38: {  	s10 =	sld [smem:$0x3FB7]  }
0x39: {  	_ = 	snop;
	(pc) =	sbr.ind lr, $3  }
0x3a: {  	_ = 	snop  }
0x3b: {  	_ = 	snop  }
0x3c: {  	p2 =	seq.s32 s10, $0x1;
	s10 =	sld [smem:$0x3FB6]  }
0x3d: {  	_ =	shalt  }
0x3e: {  	_ =	shalt  }
0x3f: {  	_ =	shalt  }
0x40: {  	_ =	shalt  }
0x41: {  	_ =	shalt  }
0x42: {  	_ =	shalt  }
0x43: {  	_ =	shalt  }
0x44: {  	_ =	shalt  }
0x45: {  	_ =	shalt  }
0x46: {  	_ =	shalt  }
0x47: {  	_ =	shalt  }
0x48: {  	_ =	shalt  }
0x49: {  	_ =	shalt  }
0x4a: {  	_ =	shalt  }
0x4b: {  	_ =	shalt  }
0x4c: {  	_ =	shalt  }
0x4d: {  	_ =	shalt  }
0x4e: {  	_ =	shalt  }
0x4f: {  	_ =	shalt  }
0x50: {  	_ =	shalt  }
0x51: {  	_ =	shalt  }
0x52: {  	_ =	shalt  }
0x53: {  	_ =	shalt  }
0x54: {  	_ =	shalt  }
0x55: {  	_ =	shalt  }
0x56: {  	_ =	shalt  }
0x57: {  	_ =	shalt  }
0x58: {  	_ =	shalt  }
0x59: {  	_ =	shalt  }
0x5a: {  	_ =	shalt  }
0x5b: {  	_ =	shalt  }
0x5c: {  	_ =	shalt  }
0x5d: {  	_ =	shalt  }
0x5e: {  	_ =	shalt  }
0x5f: {  	_ =	shalt  }
0x60: {  	_ =	shalt  }
0x61: {  	_ =	shalt  }
0x62: {  	_ =	shalt  }
0x63: {  	_ =	shalt  }
0x64: {  	_ =	shalt  }
0x65: {  	_ =	shalt  }
0x66: {  	_ =	shalt  }
0x67: {  	_ =	shalt  }
0x68: {  	_ =	shalt  }
0x69: {  	_ =	shalt  }
0x6a: {  	_ =	shalt  }
0x6b: {  	_ =	shalt  }
0x6c: {  	_ =	shalt  }
0x6d: {  	_ =	shalt  }
0x6e: {  	_ =	shalt  }
0x6f: {  	_ =	shalt  }
0x70: {  	_ =	shalt  }
0x71: {  	_ =	shalt  }
0x72: {  	_ =	shalt  }
0x73: {  	_ =	shalt  }
0x74: {  	_ =	shalt  }
0x75: {  	_ =	shalt  }
0x76: {  	_ =	shalt  }
0x77: {  	_ =	shalt  }
0x78: {  	_ =	shalt  }
0x79: {  	_ =	shalt  }
0x7a: {  	_ =	shalt  }
0x7b: {  	_ =	shalt  }
0x7c: {  	_ =	shalt  }
0x7d: {  	_ =	shalt  }
0x7e: {  	_ =	shalt  }
0x7f: {  	_ =	shalt  }
0x80: {  	_ =	shalt  }
0x81: {  	_ =	shalt  }
0x82: {  	_ =	shalt  }
0x83: {  	_ =	shalt  }
0x84: {  	_ =	shalt  }
0x85: {  	_ =	shalt  }
0x86: {  	_ =	shalt  }
0x87: {  	_ =	shalt  }
.Lfunc_end0:
.L_simem_size_0:
called_computation.1_lowered:
.L_overlay_start_0:
0x88: {  	s2 =	sld [smem:$0x3FD9]  }
0x89: {  	s3 =	sld [smem:$0x3FFE];
	_ =	sdelay $0x1  }
0x8a: {  	s1 =	srdreg.scid  }
0x8b: {  	s0 =	sand.u32 $0x1, s1  }
0x8c: {  	s17 =	sshll.u32 s0, $0xA;
	s2 =	sadd.s32 s3, s2  }
0x8d: {  	s2 =	sadd.s32 s2, s17  }
0x8e: {  	[smem:$0x3FC2] =	sst s2  }
0x8f: {  	_ = 	snop  }
0x90: {  	s2 =	sld [smem:$0x3FD0];
	(tm) =	ssettm $0x1  }
0x91: {  	s18 =	sld [smem:$0x3FFB];
	_ =	sdelay $0x3  }
0x92: {  	_ =	strace s18  }
0x93: {  	s3 =	sld [smem:$0x3FFC];
	_ =	sdelay $0x3  }
0x94: {  	_ =	strace s3  }
0x95: {  	s3 =	sld [smem:$0x3FFD];
	_ =	sdelay $0x3  }
0x96: {  	_ =	strace s3  }
0x97: {  	_ =	strace $0x8FFFFFFF  }
0x98: {  	s19 =	sld [smem:$0x3FDB];
	_ =	sdelay $0x1  }
0x99: {  	s4 =	simm.s32 $_scs_section_size  }
0x9a: {  	s5 =	simm.s32 $_size__tile_overlayer_lowered;
	s6 =	simm.s32 $_tile_overlayer_lowered  }
0x9b: {  	s22 =	simm.s32 $0x1BFF;
	s21 =	sshll.u32 s6, $0x1;
	s3 =	sadd.s32 s4, s19  }
0x9c: {  	s7 =	simm.s32 $0x0;
	s20 =	sshll.u32 s5, $0x1;
	s5 =	sadd.s32 s21, s3  }
0x9d: {  	[timem:s7], [sflag:s22] =	dma.local [hbm:s5], s20  }
0x9e: {  	_ =	swait.ge [sflag:s22], s20  }
0x9f: {  	s4 =	ssub.s32 $0x0, s20;
	[sflag:s22] =	ssyncset.done $0x0  }
0xa0: {  	[sflag:s22] =	ssyncadd.s32 s4;
	_ =	sdelay $0x1  }
0xa1: {  	s23 =	simm.s32 $0x1B8B  }
0xa2: {  	_ =	swait.ge [sflag:s23], $0x1  }
0xa3: {  	[sflag:s23] =	ssyncset.done $0x0  }
0xa4: {  	s25 =	simm.s32 $0x1B8E;
	s24 =	sld [smem:$0x3FFE];
	[sflag:s23] =	ssyncadd.s32 $0xFFFFFFFF  }
0xa5: {  	s26 =	simm.s32 $execute0_lowered;
	[smem:$0x3FD2] =	sst s25  }
0xa6: {  	s5 =	sshll.u32 s26, $0x1;
	_ =	strace $0x80000049;
	[dreg:$0x1] =	wrdreg $0xFFFFFFFF  }
0xa7: {  	s28 =	simm.s32 $_size_execute0_lowered;
	s3 =	sadd.s32 s3, s5;
	[dreg:$0x0] =	wrdreg $0x0  }
0xa8: {  	s5 =	sshll.u32 s28, $0x1;
	[dreg:$0x2] =	wrdreg s3  }
0xa9: {  	[dreg:$0x3] =	wrdreg s5  }
0xaa: {  	[dreg:$0x4] =	wrdreg $0xC0  }
0xab: {  	_ =	task [dreg:s7], $0x5FFFF  }
0xac: {  	[dreg:$0x1] =	wrdreg $0xFFFFFFFF  }
0xad: {  	[dreg:$0x0] =	wrdreg $0x60  }
0xae: {  	[dreg:$0x2] =	wrdreg s2  }
0xaf: {  	[dreg:$0x3] =	wrdreg s24  }
0xb0: {  	[dreg:$0x4] =	wrdreg $0xA8000  }
0xb1: {  	[dreg:$0x5] =	wrdreg $0x9  }
0xb2: {  	_ =	task.clear_ibuf [dreg:s7], $0x6FFFF;
	_ =	strace $0x90000049  }
0xb3: {  	s29 =	simm.s32 $0x9;
	_ =	strace $0x8000004B  }
0xb4: {  	_ =	swait.ge [sflag:s29], $0x1  }
0xb5: {  	[sflag:s29] =	ssyncadd.s32 $0xFFFFFFFF  }
0xb6: {  	_ =	strace $0x9000004B  }
0xb7: {  	_ =	sfence  }
0xb8: {  	s30 =	sld [smem:$0x0];
	_ =	sdelay $0x2  }
0xb9: {  	s31 =	sshll.u32 s1, $0xD;
	s1 =	sshrl.u32 s1, $0x2  }
0xba: {  	s3 =	sand.u32 $0x4000, s31;
	s1 =	sadd.s32 s1, s30  }
0xbb: {  	s0 =	sor.u32 s3, s0;
	s1 =	sshll.u32 s1, $0x11  }
0xbc: {  	s0 =	sor.u32 s1, s0  }
0xbd: {  	s0 =	sadd.s32 $0x8F2B, s0  }
0xbe: {  	[sflag:s0] =	ssyncadd.remote.s32 $0x1  }
0xbf: {  	_ =	sfence.sel $0xFFFF  }
0xc0: {  	[dreg:$0x0] =	wrdreg $0xFFFFFFFF;
	(pc) =	sbr.abs _section_cstart, $3  }
0xc1: {  	[dreg:$0x1] =	wrdreg $0xFFFFFFFF  }
0xc2: {  	_ =	task.clear_ibuf [dreg:s7], $0x2FFFF;
	_ =	strace $0x9FFFFFFF  }
0xc3: {  	(tm) =	ssettm $0x7FFFFFFF  }
tec
execute0_lowered:
.L_overlay_start_1:
0x0: {  	(tag) =	ssettag $0x1  }
0x1: {  	s1 =	rddreg [dreg:$0x0]  }
0x2: {  	s0 =	rddreg [dreg:$0x1]  }
0x3: {  	s2 =	rddreg [dreg:$0x2]  }
0x4: {  	s3 =	srdreg.scid;
	s4 =	simm.s32 $0x0;
	s11 =	stileid.u32  }
0x5: {  	s14 =	simm.s32 $0x5;
	s19 =	simm.s32 $0x1400;
	s20 =	simm.s32 $0x80  }
0x6: {  	s28 =	simm.s32 $0x100;
	s29 =	simm.s32 $0x4;
	s30 =	simm.s32 $0x2700  }
0x7: {  	s31 =	simm.s32 $0x1380;
	s3 =	sand.u32 $0x1, s3;
	[smem:$0x7FF] =	sst s4  }
0x8: {  	s7 =	smul.u32 $0x14000, s11;
	s8 =	sadd.s32 $0xC200, s0;
	s10 =	sadd.s32 $0x2200, s0  }
0x9: {  	s5 =	sadd.s32 $0x16200, s0;
	s9 =	smul.u32 $0x50000, s11;
	s24 =	sshll.u32 s11, $0x6  }
0xa: {  	s6 =	smul.u32 $0x140000, s3;
	s21 =	ssub.s32 $0x2, s3;
	s3 =	sshll.u32 s3, $0x4  }
0xb: {  	_ =	strace $0x8000004A;
	s22 =	sshrl.u32 s21, $0x1;
	s3 =	sor.u32 s11, s3  }
0xc: {  	s23 =	sshrl.u32 s9, $0x2;
	s6 =	sadd.s32 s7, s6;
	s7 =	ssub.s32 s21, s22  }
0xd: {  	s13 =	sadd.s32 s23, s2;
	s3 =	smul.u32 $0x2800, s3;
	s21 =	simm.s32 $0x2800  }
0xe: {  	s22 =	simm.s32 $0x1;
	s23 =	simm.s32 $0x6800;
	s6 =	sshrl.u32 s6, $0x3  }
0xf: {  	s15 =	sadd.s32 $0x4000, s13;
	s16 =	sadd.s32 $0x8000, s13;
	s17 =	sadd.s32 $0xC000, s13  }
0x10: {  	s18 =	sadd.s32 $0x10000, s13;
	s12 =	smax.u32 s7, $0x1;
	s13 =	sshrl.u32 s13, $0x3  }
0x11: {  	s0 =	sadd.s32 s6, s0;
	s6 =	sor.u32 $0x1C05, s24;
	s3 =	sshrl.u32 s3, $0x3  }
0x12: {  	s15 =	sshrl.u32 s15, $0x3;
	s16 =	sshrl.u32 s16, $0x3;
	s17 =	sshrl.u32 s17, $0x3  }
0x13: {  	s18 =	sshrl.u32 s18, $0x3;
	s24 =	simm.s32 $0x2;
	s25 =	sadd.s32 s8, s3  }
0x14: {  	s26 =	sadd.s32 s10, s3;
	s3 =	sadd.s32 $0x280, s3;
	[dreg:$0x4] =	wrdreg s25  }
0x15: {  	s11 =	sadd.s32 $0x16A00, s0;
	s0 =	simm.s32 $0x2780;
	[dreg:$0x5] =	wrdreg s26  }
0x16: {  	s8 =	sadd.s32 s8, s3;
	s10 =	sadd.s32 s10, s3;
	s25 =	simm.s32 $0x1480  }
0x17: {  	s26 =	simm.s32 $0x3;
	s3 =	simm.s32 $0x0;
	[dreg:$0x6] =	wrdreg s8  }
.LBB2_1:
0x18: {  	[spmem:s13], [sflag:s6] =	dma.local [hbm:s5], $0x800  }
0x19: {  	_ =	swait.ge [sflag:s14], $0x800  }
0x1a: {  	[sflag:s14] =	ssyncset.done $0x0  }
0x1b: {  	[sflag:s14] =	ssyncadd.s32 $0xFFFFF800  }
0x1c: {  	[spmem:s15], [sflag:s6] =	dma.local [hbm:s5], $0x800  }
0x1d: {  	_ =	swait.ge [sflag:s14], $0x800  }
0x1e: {  	[sflag:s14] =	ssyncset.done $0x0  }
0x1f: {  	[sflag:s14] =	ssyncadd.s32 $0xFFFFF800  }
0x20: {  	[spmem:s16], [sflag:s6] =	dma.local [hbm:s5], $0x800  }
0x21: {  	_ =	swait.ge [sflag:s14], $0x800  }
0x22: {  	[sflag:s14] =	ssyncset.done $0x0  }
0x23: {  	[sflag:s14] =	ssyncadd.s32 $0xFFFFF800  }
0x24: {  	[spmem:s17], [sflag:s6] =	dma.local [hbm:s5], $0x800  }
0x25: {  	_ =	swait.ge [sflag:s14], $0x800  }
0x26: {  	[sflag:s14] =	ssyncset.done $0x0  }
0x27: {  	[sflag:s14] =	ssyncadd.s32 $0xFFFFF800  }
0x28: {  	[spmem:s18], [sflag:s6] =	dma.local [hbm:s5], $0x800  }
0x29: {  	_ =	swait.ge [sflag:s14], $0x800  }
0x2a: {  	[sflag:s14] =	ssyncset.done $0x0  }
0x2b: {  	[sflag:s14] =	ssyncadd.s32 $0xFFFFF800  }
0x2c: {  	[bflag:$0x0] =	sbarrier.arrive $0xFFFF  }
0x2d: {  	s7 =	rddreg [dreg:$0x4]  }
0x2e: {  	[tilespmem:s4], [sflag:$0x5] =	stream.linear.gather [hbm4b:s7+s4], $0x1400, $0x38;
	[tilespmem:$0x1E800] =	vst v63  }
0x2f: {  	_ =	swait.ge [sflag:s14], $0x1400  }
0x30: {  	[sflag:s14] =	ssyncset.done $0x0  }
0x31: {  	s8 =	rddreg [dreg:$0x5];
	[sflag:s14] =	ssyncadd.s32 $0xFFFFEC00  }
0x32: {  	[tilespmem:s19], [sflag:$0x5] =	stream.linear.gather [hbm4b:s8+s4], $0x1400, $0x38;
	[tilespmem:$0x1E800] =	vst v63  }
0x33: {  	_ =	swait.ge [sflag:s14], $0x1400  }
0x34: {  	[sflag:s14] =	ssyncset.done $0x0  }
0x35: {  	[sflag:s14] =	ssyncadd.s32 $0xFFFFEC00  }
0x36: {  	[tilespmem:s21], [sflag:$0x1] =	stream.indirect.gather [hbm4b:s1+s20], $0x80, s4, s20, $0xb8;
	[tilespmem:$0x1E800] =	vst v63  }
0x37: {  	_ =	swait.ge [sflag:s22], $0x4000  }
0x38: {  	[sflag:s22] =	ssyncset.done $0x0  }
0x39: {  	[sflag:s22] =	ssyncadd.s32 $0xFFFFC000  }
0x3a: {  	[spmem:s2] =	stream.indirect.scatter.add.f32 [tilespmem:s21], [sflag:$0x3], $0x80, s19, s20, $0xb8;
	[tilespmem:$0x1E800] =	vst v63  }
0x3b: {  	_ = 	snop  }
0x3c: {  	[tilespmem:s23], [sflag:$0x2] =	stream.indirect.gather [hbm4b:s1+s20], $0x80, s20, s20, $0xb8;
	[tilespmem:$0x1E800] =	vst v63  }
0x3d: {  	_ =	swait.ge [sflag:s24], $0x4000  }
0x3e: {  	[sflag:s24] =	ssyncset.done $0x0  }
0x3f: {  	[sflag:s24] =	ssyncadd.s32 $0xFFFFC000  }
0x40: {  	[spmem:s2] =	stream.indirect.scatter.add.f32 [tilespmem:s23], [sflag:$0x4], $0x80, s25, s20, $0xb8;
	[tilespmem:$0x1E800] =	vst v63  }
0x41: {  	_ =	swait.ge [sflag:s26], $0x4000  }
0x42: {  	[sflag:s26] =	ssyncset.done $0x0  }
0x43: {  	[sflag:s26] =	ssyncadd.s32 $0xFFFFC000  }
0x44: {  	[tilespmem:s21], [sflag:$0x1] =	stream.indirect.gather [hbm4b:s1+s20], $0x80, s28, s20, $0xb8;
	[tilespmem:$0x1E800] =	vst v63  }
0x45: {  	_ =	swait.ge [sflag:s22], $0x4000  }
0x46: {  	[sflag:s22] =	ssyncset.done $0x0  }
0x47: {  	s9 =	simm.s32 $0x1500;
	[sflag:s22] =	ssyncadd.s32 $0xFFFFC000  }
0x48: {  	[spmem:s2] =	stream.indirect.scatter.add.f32 [tilespmem:s21], [sflag:$0x3], $0x80, s9, s20, $0xb8;
	[tilespmem:$0x1E800] =	vst v63  }
0x49: {  	_ =	swait.ge [sflag:s29], $0x4000  }
0x4a: {  	[sflag:s29] =	ssyncset.done $0x0  }
0x4b: {  	s8 =	simm.s32 $0x180;
	[sflag:s29] =	ssyncadd.s32 $0xFFFFC000  }
0x4c: {  	[tilespmem:s23], [sflag:$0x2] =	stream.indirect.gather [hbm4b:s1+s20], $0x80, s8, s20, $0xb8;
	[tilespmem:$0x1E800] =	vst v63  }
0x4d: {  	_ =	swait.ge [sflag:s24], $0x4000  }
0x4e: {  	[sflag:s24] =	ssyncset.done $0x0  }
0x4f: {  	s9 =	simm.s32 $0x1580;
	[sflag:s24] =	ssyncadd.s32 $0xFFFFC000  }
0x50: {  	[spmem:s2] =	stream.indirect.scatter.add.f32 [tilespmem:s23], [sflag:$0x4], $0x80, s9, s20, $0xb8;
	[tilespmem:$0x1E800] =	vst v63  }
0x51: {  	_ =	swait.ge [sflag:s26], $0x4000  }
0x52: {  	[sflag:s26] =	ssyncset.done $0x0  }
0x53: {  	s7 =	simm.s32 $0xFFFFBC00;
	s8 =	simm.s32 $0x200;
	[sflag:s26] =	ssyncadd.s32 $0xFFFFC000  }
.LBB2_2:
0x54: {  	[tilespmem:s21], [sflag:$0x1] =	stream.indirect.gather [hbm4b:s1+s20], $0x80, s8, s20, $0xb8;
	[tilespmem:$0x1E800] =	vst v63  }
0x55: {  	s8 =	smov.u32 s7  }
0x56: {  	p0 =	sne.s32 s7, $0xFFFFFC00;
	s7 =	sadd.s32 $0x400, s7;
	_ =	swait.ge [sflag:s22], $0x4000  }
0x57: {  	s8 =	sshra.s32 s8, $0x2;
	[sflag:s22] =	ssyncset.done $0x0  }
0x58: {  	s9 =	sadd.s32 $0x2700, s8;
	[sflag:s22] =	ssyncadd.s32 $0xFFFFC000  }
0x59: {  	[spmem:s2] =	stream.indirect.scatter.add.f32 [tilespmem:s21], [sflag:$0x3], $0x80, s9, s20, $0xb8;
	[tilespmem:$0x1E800] =	vst v63  }
0x5a: {  	_ =	swait.ge [sflag:s29], $0x4000  }
0x5b: {  	[sflag:s29] =	ssyncset.done $0x0  }
0x5c: {  	s9 =	sadd.s32 $0x1380, s8;
	[sflag:s29] =	ssyncadd.s32 $0xFFFFC000  }
0x5d: {  	[tilespmem:s23], [sflag:$0x2] =	stream.indirect.gather [hbm4b:s1+s20], $0x80, s9, s20, $0xb8;
	[tilespmem:$0x1E800] =	vst v63  }
0x5e: {  	_ =	swait.ge [sflag:s24], $0x4000  }
0x5f: {  	[sflag:s24] =	ssyncset.done $0x0  }
.Ltmp0:
0x60: {  	s9 =	sadd.s32 $0x2780, s8;
	[sflag:s24] =	ssyncadd.s32 $0xFFFFC000;
	(pc) =	sbr.rel @p0 .LBB2_2-.Ltmp0, $4  }
0x61: {  	[spmem:s2] =	stream.indirect.scatter.add.f32 [tilespmem:s23], [sflag:$0x4], $0x80, s9, s20, $0xb8;
	[tilespmem:$0x1E800] =	vst v63  }
0x62: {  	_ =	swait.ge [sflag:s26], $0x4000  }
0x63: {  	[sflag:s26] =	ssyncset.done $0x0  }
0x64: {  	s8 =	sadd.s32 $0x1400, s8;
	[sflag:s26] =	ssyncadd.s32 $0xFFFFC000  }
0x65: {  	[tilespmem:s21], [sflag:$0x1] =	stream.indirect.gather [hbm4b:s1+s20], $0x80, s8, s20, $0xb8;
	[tilespmem:$0x1E800] =	vst v63  }
0x66: {  	_ =	swait.ge [sflag:s22], $0x4000  }
0x67: {  	[sflag:s22] =	ssyncset.done $0x0  }
0x68: {  	[sflag:s22] =	ssyncadd.s32 $0xFFFFC000  }
0x69: {  	[spmem:s2] =	stream.indirect.scatter.add.f32 [tilespmem:s21], [sflag:$0x3], $0x80, s30, s20, $0xb8;
	[tilespmem:$0x1E800] =	vst v63  }
0x6a: {  	_ =	swait.ge [sflag:s29], $0x4000  }
0x6b: {  	[sflag:s29] =	ssyncset.done $0x0  }
0x6c: {  	[sflag:s29] =	ssyncadd.s32 $0xFFFFC000  }
0x6d: {  	[tilespmem:s23], [sflag:$0x2] =	stream.indirect.gather [hbm4b:s1+s20], $0x80, s31, s20, $0xb8;
	[tilespmem:$0x1E800] =	vst v63  }
0x6e: {  	_ =	swait.ge [sflag:s24], $0x4000  }
0x6f: {  	[sflag:s24] =	ssyncset.done $0x0  }
0x70: {  	[sflag:s24] =	ssyncadd.s32 $0xFFFFC000  }
0x71: {  	[spmem:s2] =	stream.indirect.scatter.add.f32 [tilespmem:s23], [sflag:$0x4], $0x80, s0, s20, $0xb8;
	[tilespmem:$0x1E800] =	vst v63  }
0x72: {  	_ =	swait.ge [sflag:s26], $0x4000  }
0x73: {  	[sflag:s26] =	ssyncset.done $0x0  }
0x74: {  	[sflag:s26] =	ssyncadd.s32 $0xFFFFC000  }
0x75: {  	[tilespmem:s21], [sflag:$0x1] =	stream.indirect.gather [hbm4b:s1+s20], $0x80, s31, s20, $0xb8;
	[tilespmem:$0x1E800] =	vst v63  }
0x76: {  	_ =	swait.ge [sflag:s29], $0x4000  }
0x77: {  	[sflag:s29] =	ssyncset.done $0x0  }
0x78: {  	[sflag:s29] =	ssyncadd.s32 $0xFFFFC000  }
0x79: {  	_ =	swait.ge [sflag:s22], $0x4000  }
0x7a: {  	[sflag:s22] =	ssyncset.done $0x0  }
0x7b: {  	s7 =	rddreg [dreg:$0x6];
	[sflag:s22] =	ssyncadd.s32 $0xFFFFC000  }
0x7c: {  	[tilespmem:s4], [sflag:$0x5] =	stream.linear.gather [hbm4b:s7+s4], $0x1400, $0x38;
	[tilespmem:$0x1E800] =	vst v63  }
0x7d: {  	_ =	swait.ge [sflag:s14], $0x1400  }
0x7e: {  	[sflag:s14] =	ssyncset.done $0x0  }
0x7f: {  	[sflag:s14] =	ssyncadd.s32 $0xFFFFEC00  }
0x80: {  	[tilespmem:s19], [sflag:$0x5] =	stream.linear.gather [hbm4b:s10+s4], $0x1400, $0x38;
	[tilespmem:$0x1E800] =	vst v63  }
0x81: {  	_ =	swait.ge [sflag:s14], $0x1400  }
0x82: {  	[sflag:s14] =	ssyncset.done $0x0  }
0x83: {  	[sflag:s14] =	ssyncadd.s32 $0xFFFFEC00  }
0x84: {  	[tilespmem:s21], [sflag:$0x1] =	stream.indirect.gather [hbm4b:s1+s20], $0x80, s4, s20, $0xb8;
	[tilespmem:$0x1E800] =	vst v63  }
0x85: {  	_ =	swait.ge [sflag:s22], $0x4000  }
0x86: {  	[sflag:s22] =	ssyncset.done $0x0  }
0x87: {  	[sflag:s22] =	ssyncadd.s32 $0xFFFFC000  }
0x88: {  	[spmem:s2] =	stream.indirect.scatter.add.f32 [tilespmem:s21], [sflag:$0x3], $0x80, s19, s20, $0xb8;
	[tilespmem:$0x1E800] =	vst v63  }
0x89: {  	_ = 	snop  }
0x8a: {  	[tilespmem:s23], [sflag:$0x2] =	stream.indirect.gather [hbm4b:s1+s20], $0x80, s20, s20, $0xb8;
	[tilespmem:$0x1E800] =	vst v63  }
0x8b: {  	_ =	swait.ge [sflag:s24], $0x4000  }
0x8c: {  	[sflag:s24] =	ssyncset.done $0x0  }
0x8d: {  	[sflag:s24] =	ssyncadd.s32 $0xFFFFC000  }
0x8e: {  	[spmem:s2] =	stream.indirect.scatter.add.f32 [tilespmem:s23], [sflag:$0x4], $0x80, s25, s20, $0xb8;
	[tilespmem:$0x1E800] =	vst v63  }
0x8f: {  	_ =	swait.ge [sflag:s26], $0x4000  }
0x90: {  	[sflag:s26] =	ssyncset.done $0x0  }
0x91: {  	[sflag:s26] =	ssyncadd.s32 $0xFFFFC000  }
0x92: {  	[tilespmem:s21], [sflag:$0x1] =	stream.indirect.gather [hbm4b:s1+s20], $0x80, s28, s20, $0xb8;
	[tilespmem:$0x1E800] =	vst v63  }
0x93: {  	_ =	swait.ge [sflag:s22], $0x4000  }
0x94: {  	[sflag:s22] =	ssyncset.done $0x0  }
0x95: {  	s9 =	simm.s32 $0x1500;
	[sflag:s22] =	ssyncadd.s32 $0xFFFFC000  }
0x96: {  	[spmem:s2] =	stream.indirect.scatter.add.f32 [tilespmem:s21], [sflag:$0x3], $0x80, s9, s20, $0xb8;
	[tilespmem:$0x1E800] =	vst v63  }
0x97: {  	_ =	swait.ge [sflag:s29], $0x4000  }
0x98: {  	[sflag:s29] =	ssyncset.done $0x0  }
0x99: {  	s8 =	simm.s32 $0x180;
	[sflag:s29] =	ssyncadd.s32 $0xFFFFC000  }
0x9a: {  	[tilespmem:s23], [sflag:$0x2] =	stream.indirect.gather [hbm4b:s1+s20], $0x80, s8, s20, $0xb8;
	[tilespmem:$0x1E800] =	vst v63  }
0x9b: {  	_ =	swait.ge [sflag:s24], $0x4000  }
0x9c: {  	[sflag:s24] =	ssyncset.done $0x0  }
0x9d: {  	s9 =	simm.s32 $0x1580;
	[sflag:s24] =	ssyncadd.s32 $0xFFFFC000  }
0x9e: {  	[spmem:s2] =	stream.indirect.scatter.add.f32 [tilespmem:s23], [sflag:$0x4], $0x80, s9, s20, $0xb8;
	[tilespmem:$0x1E800] =	vst v63  }
0x9f: {  	_ =	swait.ge [sflag:s26], $0x4000  }
0xa0: {  	[sflag:s26] =	ssyncset.done $0x0  }
0xa1: {  	s7 =	simm.s32 $0xFFFFBC00;
	s8 =	simm.s32 $0x200;
	[sflag:s26] =	ssyncadd.s32 $0xFFFFC000  }
.LBB2_4:
0xa2: {  	[tilespmem:s21], [sflag:$0x1] =	stream.indirect.gather [hbm4b:s1+s20], $0x80, s8, s20, $0xb8;
	[tilespmem:$0x1E800] =	vst v63  }
0xa3: {  	s8 =	smov.u32 s7  }
0xa4: {  	p0 =	sne.s32 s7, $0xFFFFFC00;
	s7 =	sadd.s32 $0x400, s7;
	_ =	swait.ge [sflag:s22], $0x4000  }
0xa5: {  	s8 =	sshra.s32 s8, $0x2;
	[sflag:s22] =	ssyncset.done $0x0  }
0xa6: {  	s9 =	sadd.s32 $0x2700, s8;
	[sflag:s22] =	ssyncadd.s32 $0xFFFFC000  }
0xa7: {  	[spmem:s2] =	stream.indirect.scatter.add.f32 [tilespmem:s21], [sflag:$0x3], $0x80, s9, s20, $0xb8;
	[tilespmem:$0x1E800] =	vst v63  }
0xa8: {  	_ =	swait.ge [sflag:s29], $0x4000  }
0xa9: {  	[sflag:s29] =	ssyncset.done $0x0  }
0xaa: {  	s9 =	sadd.s32 $0x1380, s8;
	[sflag:s29] =	ssyncadd.s32 $0xFFFFC000  }
0xab: {  	[tilespmem:s23], [sflag:$0x2] =	stream.indirect.gather [hbm4b:s1+s20], $0x80, s9, s20, $0xb8;
	[tilespmem:$0x1E800] =	vst v63  }
0xac: {  	_ =	swait.ge [sflag:s24], $0x4000  }
0xad: {  	[sflag:s24] =	ssyncset.done $0x0  }
.Ltmp1:
0xae: {  	s9 =	sadd.s32 $0x2780, s8;
	[sflag:s24] =	ssyncadd.s32 $0xFFFFC000;
	(pc) =	sbr.rel @p0 .LBB2_4-.Ltmp1, $4  }
0xaf: {  	[spmem:s2] =	stream.indirect.scatter.add.f32 [tilespmem:s23], [sflag:$0x4], $0x80, s9, s20, $0xb8;
	[tilespmem:$0x1E800] =	vst v63  }
0xb0: {  	_ =	swait.ge [sflag:s26], $0x4000  }
0xb1: {  	[sflag:s26] =	ssyncset.done $0x0  }
0xb2: {  	s8 =	sadd.s32 $0x1400, s8;
	[sflag:s26] =	ssyncadd.s32 $0xFFFFC000  }
0xb3: {  	[tilespmem:s21], [sflag:$0x1] =	stream.indirect.gather [hbm4b:s1+s20], $0x80, s8, s20, $0xb8;
	[tilespmem:$0x1E800] =	vst v63  }
0xb4: {  	_ =	swait.ge [sflag:s22], $0x4000  }
0xb5: {  	[sflag:s22] =	ssyncset.done $0x0  }
0xb6: {  	[sflag:s22] =	ssyncadd.s32 $0xFFFFC000  }
0xb7: {  	[spmem:s2] =	stream.indirect.scatter.add.f32 [tilespmem:s21], [sflag:$0x3], $0x80, s30, s20, $0xb8;
	[tilespmem:$0x1E800] =	vst v63  }
0xb8: {  	_ =	swait.ge [sflag:s29], $0x4000  }
0xb9: {  	[sflag:s29] =	ssyncset.done $0x0  }
0xba: {  	[sflag:s29] =	ssyncadd.s32 $0xFFFFC000  }
0xbb: {  	[tilespmem:s23], [sflag:$0x2] =	stream.indirect.gather [hbm4b:s1+s20], $0x80, s31, s20, $0xb8;
	[tilespmem:$0x1E800] =	vst v63  }
0xbc: {  	_ =	swait.ge [sflag:s24], $0x4000  }
0xbd: {  	[sflag:s24] =	ssyncset.done $0x0  }
0xbe: {  	[sflag:s24] =	ssyncadd.s32 $0xFFFFC000  }
0xbf: {  	[spmem:s2] =	stream.indirect.scatter.add.f32 [tilespmem:s23], [sflag:$0x4], $0x80, s0, s20, $0xb8;
	[tilespmem:$0x1E800] =	vst v63  }
0xc0: {  	_ =	swait.ge [sflag:s26], $0x4000  }
0xc1: {  	[sflag:s26] =	ssyncset.done $0x0  }
0xc2: {  	[sflag:s26] =	ssyncadd.s32 $0xFFFFC000  }
0xc3: {  	[tilespmem:s21], [sflag:$0x1] =	stream.indirect.gather [hbm4b:s1+s20], $0x80, s31, s20, $0xb8;
	[tilespmem:$0x1E800] =	vst v63  }
0xc4: {  	_ =	swait.ge [sflag:s29], $0x4000  }
0xc5: {  	[sflag:s29] =	ssyncset.done $0x0  }
0xc6: {  	[sflag:s29] =	ssyncadd.s32 $0xFFFFC000  }
0xc7: {  	_ =	swait.ge [sflag:s22], $0x4000  }
0xc8: {  	s3 =	sadd.s32 $0x1, s3;
	[sflag:s22] =	ssyncset.done $0x0  }
0xc9: {  	p0 =	sne.s32 s3, s12;
	[sflag:s22] =	ssyncadd.s32 $0xFFFFC000  }
.Ltmp2:
0xca: {  	[bflag:$0x0] =	sbarrier.arrive $0xFFFF;
	(pc) =	sbr.rel @p0 .LBB2_1-.Ltmp2, $4  }
0xcb: {  	[hbm:s11], [sflag:s6] =	dma.local [spmem:s13], $0x2800  }
0xcc: {  	_ =	swait.ge [sflag:s14], $0x2800  }
0xcd: {  	[sflag:s14] =	ssyncset.done $0x0  }
0xce: {  	[sflag:s14] =	ssyncadd.s32 $0xFFFFD800  }
0xcf: {  	_ =	sfence.sel $0x180000  }
0xd0: {  	[bflag:$0x0] =	sbarrier.arrive $0xFFFF  }
0xd1: {  	_ =	strace $0x9000004A  }
0xd2: {  	s0 =	stileid.u32;
	[bflag:$0x2] =	sbarrier.arrive $0xFFFF  }
0xd3: {  	p0 =	sne.s32 s0, $0x0;
	s0 =	rddreg [dreg:$0x3]  }
0xd4: {  	s0 =	sadd.s32 @!p0 $0x100000, s0  }
0xd5: {  	[sflag:s0] =	ssyncadd.tile.s32 @!p0 $0x1;
	_ =	shalt  }
.Lfunc_end2:
_tile_overlayer_lowered:
.L_overlay_start_2:
0xd6: {  	(tag) =	ssettag $0x2  }
0xd7: {  	s0 =	rddreg [dreg:$0x0];
	s2 =	stileid.u32  }
0xd8: {  	s1 =	rddreg [dreg:$0x1];
	p0 =	sne.s32 s2, $0x0  }
0xd9: {  	s3 =	rddreg [dreg:$0x2];
	[bflag:$0x3] =	sbarrier.arrive $0xFFFF;
	s2 =	simm.s32 @!p0 $0x1C05  }
0xda: {  	[timem:s3], [sflag:s2] =	dma.local @!p0 [hbm:s0], s1  }
0xdb: {  	s0 =	simm.s32 @!p0 $0x5  }
0xdc: {  	_ =	swait.ge @!p0 [sflag:s0], s1  }
0xdd: {  	s1 =	ssub.s32 @!p0 $0x0, s1;
	[sflag:s0] =	ssyncset.done @!p0 $0x0  }
0xde: {  	[sflag:s0] =	ssyncadd.s32 @!p0 s1  }
0xdf: {  	[bflag:$0x3] =	sbarrier.arrive $0xFFFF  }
0xe0: {  	_ =	shalt  }

// kernel: kernel.14.cloned.1.call-start
scs
__scs_entry_jumppad:
0x0: {  	(pc) =	sbr.rel $0x88, $3  }
0x1: {  	(tag) =	ssettag $0x0;
	lr =	simm.s32 $0x1  }
0x2: {  	[smem:$0x3F9B] =	sst lr;
	_ =	strace $0xD0000000  }
0x3: {  	_ = 	snop  }
0x4: {  	_ = 	snop  }
0x5: {  	_ = 	snop  }
0x6: {  	_ = 	snop  }
0x7: {  	_ = 	snop  }
__scs_overlays_trampoline_lowered:
0x8: {  	[smem:$0x3FAA] =	sst s0  }
0x9: {  	[smem:$0x3FAB] =	sst s1  }
0xa: {  	[smem:$0x3FAC] =	sst s2  }
0xb: {  	[smem:$0x3FAD] =	sst s3  }
0xc: {  	[smem:$0x3FAE] =	sst s4  }
0xd: {  	[smem:$0x3FAF] =	sst s5  }
0xe: {  	[smem:$0x3FB0] =	sst s6  }
0xf: {  	[smem:$0x3FB1] =	sst s7  }
0x10: {  	[smem:$0x3FB2] =	sst s8  }
0x11: {  	[smem:$0x3FB3] =	sst s9;
	s0 =	simm.s32 @!p0 $0x0  }
0x12: {  	s1 =	sld [smem:$0x3F99];
	s0 =	simm.s32 @p0 $0x1  }
0x13: {  	[smem:$0x3FB4] =	sst s0;
	s0 =	simm.s32 @!p1 $0x0  }
0x14: {  	s2 =	sld [smem:$0x3F98];
	s0 =	simm.s32 @p1 $0x1  }
0x15: {  	[smem:$0x3FB5] =	sst s0;
	s0 =	simm.s32 @!p2 $0x0  }
0x16: {  	s3 =	sld [smem:$0x3FDB];
	s0 =	simm.s32 @p2 $0x1  }
0x17: {  	s4 =	simm.s32 $0x1BF5;
	[smem:$0x3FB7] =	sst s0  }
0x18: {  	s0 =	sld [smem:$0x3F9A];
	_ =	swait.ge [sflag:s4], $0x0  }
0x19: {  	s7 =	sld [smem:$0x3F9B]  }
0x1a: {  	s8 =	sadd.s32 $0xFFFFE003, lr  }
0x1b: {  	s9 =	sadd.s32 $0xFFFFFEF7, lr;
	s5 =	simm.s32 $0xFFFFFFFF;
	p2 =	slt.u32 s8, $0xFFFFF086  }
0x1c: {  	p1 =	slt.u32 s9, $0xF7A;
	s5 =	simm.s32 @!p2 $0x0  }
0x1d: {  	s5 =	simm.s32 @p1 $0x1;
	p0 =	seq.s32 s7, s2  }
0x1e: {  	s7 =	smul.u32 @!p0 $0xF7A, s2;
	p2 =	seq.s32 @!p0 s5, $0x0  }
0x1f: {  	s9 =	smul.u32 $0xF7A, s1;
	s8 =	simm.s32 @!p0 $0x1BF5;
	p2 =	por !p2, p0  }
0x20: {  	[sflag:s8] =	ssyncset.s32 @!p0 $0xFFFFF086;
	s6 =	sadd.s32 @!p0 s3, s7;
	s7 =	simm.s32 @!p0 $0x108  }
0x21: {  	s3 =	sadd.s32 s3, s9;
	s6 =	sadd.s32 @!p0 $0x88, s6;
	s7 =	simm.s32 @p2 $0x1082  }
0x22: {  	[simem:s7], [sflag:s8] =	dma.local @!p0 [hbm:s6], $0xF7A  }
0x23: {  	s9 =	sor.u32 $0xD0000000, s2;
	s6 =	simm.s32 $0x108;
	_ =	swait.ge @!p0 [sflag:s8], $0x0  }
0x24: {  	s3 =	sadd.s32 $0x88, s3;
	s6 =	simm.s32 @!p1 $0x1082;
	[sflag:s4] =	ssyncset.s32 $0xFFFFF086  }
0x25: {  	[simem:s6], [sflag:s4] =	dma.local [hbm:s3], $0xF7A  }
0x26: {  	[smem:$0x3F9B] =	sst s1;
	(tag) =	ssettag s2;
	_ =	strace s9  }
0x27: {  	s1 =	sld [smem:$0x3FAB]  }
0x28: {  	s2 =	sld [smem:$0x3FAC]  }
0x29: {  	s4 =	sld [smem:$0x3FAE]  }
0x2a: {  	p0 =	seq.s32 s5, $0x0;
	s5 =	sld [smem:$0x3FAF]  }
0x2b: {  	s6 =	sld [smem:$0x3FB0]  }
0x2c: {  	s7 =	sld [smem:$0x3FB1]  }
0x2d: {  	s3 =	simm.s32 $0x108;
	s8 =	sld [smem:$0x3FB2]  }
0x2e: {  	s3 =	simm.s32 @!p0 $0x1082;
	s9 =	sld [smem:$0x3FB3]  }
0x2f: {  	lr =	sadd.s32 s0, s3;
	s0 =	sld [smem:$0x3FAA]  }
0x30: {  	s3 =	sld [smem:$0x3FAD]  }
0x31: {  	[smem:$0x3FB6] =	sst s10  }
0x32: {  	s10 =	sld [smem:$0x3FB4];
	_ =	sdelay $0x3  }
0x33: {  	p0 =	seq.s32 s10, $0x1;
	s10 =	sld [smem:$0x3FB6];
	_ =	sdelay $0x3  }
0x34: {  	[smem:$0x3FB6] =	sst s10  }
0x35: {  	s10 =	sld [smem:$0x3FB5];
	_ =	sdelay $0x3  }
0x36: {  	p1 =	seq.s32 s10, $0x1;
	s10 =	sld [smem:$0x3FB6];
	_ =	sdelay $0x3  }
0x37: {  	[smem:$0x3FB6] =	sst s10  }
0x38: {  	s10 =	sld [smem:$0x3FB7]  }
0x39: {  	_ = 	snop;
	(pc) =	sbr.ind lr, $3  }
0x3a: {  	_ = 	snop  }
0x3b: {  	_ = 	snop  }
0x3c: {  	p2 =	seq.s32 s10, $0x1;
	s10 =	sld [smem:$0x3FB6]  }
0x3d: {  	_ =	shalt  }
0x3e: {  	_ =	shalt  }
0x3f: {  	_ =	shalt  }
0x40: {  	_ =	shalt  }
0x41: {  	_ =	shalt  }
0x42: {  	_ =	shalt  }
0x43: {  	_ =	shalt  }
0x44: {  	_ =	shalt  }
0x45: {  	_ =	shalt  }
0x46: {  	_ =	shalt  }
0x47: {  	_ =	shalt  }
0x48: {  	_ =	shalt  }
0x49: {  	_ =	shalt  }
0x4a: {  	_ =	shalt  }
0x4b: {  	_ =	shalt  }
0x4c: {  	_ =	shalt  }
0x4d: {  	_ =	shalt  }
0x4e: {  	_ =	shalt  }
0x4f: {  	_ =	shalt  }
0x50: {  	_ =	shalt  }
0x51: {  	_ =	shalt  }
0x52: {  	_ =	shalt  }
0x53: {  	_ =	shalt  }
0x54: {  	_ =	shalt  }
0x55: {  	_ =	shalt  }
0x56: {  	_ =	shalt  }
0x57: {  	_ =	shalt  }
0x58: {  	_ =	shalt  }
0x59: {  	_ =	shalt  }
0x5a: {  	_ =	shalt  }
0x5b: {  	_ =	shalt  }
0x5c: {  	_ =	shalt  }
0x5d: {  	_ =	shalt  }
0x5e: {  	_ =	shalt  }
0x5f: {  	_ =	shalt  }
0x60: {  	_ =	shalt  }
0x61: {  	_ =	shalt  }
0x62: {  	_ =	shalt  }
0x63: {  	_ =	shalt  }
0x64: {  	_ =	shalt  }
0x65: {  	_ =	shalt  }
0x66: {  	_ =	shalt  }
0x67: {  	_ =	shalt  }
0x68: {  	_ =	shalt  }
0x69: {  	_ =	shalt  }
0x6a: {  	_ =	shalt  }
0x6b: {  	_ =	shalt  }
0x6c: {  	_ =	shalt  }
0x6d: {  	_ =	shalt  }
0x6e: {  	_ =	shalt  }
0x6f: {  	_ =	shalt  }
0x70: {  	_ =	shalt  }
0x71: {  	_ =	shalt  }
0x72: {  	_ =	shalt  }
0x73: {  	_ =	shalt  }
0x74: {  	_ =	shalt  }
0x75: {  	_ =	shalt  }
0x76: {  	_ =	shalt  }
0x77: {  	_ =	shalt  }
0x78: {  	_ =	shalt  }
0x79: {  	_ =	shalt  }
0x7a: {  	_ =	shalt  }
0x7b: {  	_ =	shalt  }
0x7c: {  	_ =	shalt  }
0x7d: {  	_ =	shalt  }
0x7e: {  	_ =	shalt  }
0x7f: {  	_ =	shalt  }
0x80: {  	_ =	shalt  }
0x81: {  	_ =	shalt  }
0x82: {  	_ =	shalt  }
0x83: {  	_ =	shalt  }
0x84: {  	_ =	shalt  }
0x85: {  	_ =	shalt  }
0x86: {  	_ =	shalt  }
0x87: {  	_ =	shalt  }
.Lfunc_end0:
.L_simem_size_0:
called_computation.2_lowered:
.L_overlay_start_0:
0x88: {  	s2 =	sld [smem:$0x3FD9]  }
0x89: {  	s3 =	sld [smem:$0x3FFE];
	_ =	sdelay $0x1  }
0x8a: {  	s1 =	srdreg.scid  }
0x8b: {  	s0 =	sand.u32 $0x1, s1  }
0x8c: {  	s17 =	sshll.u32 s0, $0xA;
	s2 =	sadd.s32 s3, s2  }
0x8d: {  	s2 =	sadd.s32 s2, s17  }
0x8e: {  	[smem:$0x3FC2] =	sst s2  }
0x8f: {  	_ = 	snop  }
0x90: {  	s2 =	sld [smem:$0x3FD0];
	(tm) =	ssettm $0x1  }
0x91: {  	s18 =	sld [smem:$0x3FFB];
	_ =	sdelay $0x3  }
0x92: {  	_ =	strace s18  }
0x93: {  	s3 =	sld [smem:$0x3FFC];
	_ =	sdelay $0x3  }
0x94: {  	_ =	strace s3  }
0x95: {  	s3 =	sld [smem:$0x3FFD];
	_ =	sdelay $0x3  }
0x96: {  	_ =	strace s3  }
0x97: {  	_ =	strace $0x8FFFFFFF  }
0x98: {  	s19 =	sld [smem:$0x3FDB];
	_ =	sdelay $0x1  }
0x99: {  	s4 =	simm.s32 $_scs_section_size  }
0x9a: {  	s5 =	simm.s32 $_size__tile_overlayer_lowered;
	s6 =	simm.s32 $_tile_overlayer_lowered  }
0x9b: {  	s22 =	simm.s32 $0x1BFF;
	s21 =	sshll.u32 s6, $0x1;
	s3 =	sadd.s32 s4, s19  }
0x9c: {  	s7 =	simm.s32 $0x0;
	s20 =	sshll.u32 s5, $0x1;
	s5 =	sadd.s32 s21, s3  }
0x9d: {  	[timem:s7], [sflag:s22] =	dma.local [hbm:s5], s20  }
0x9e: {  	_ =	swait.ge [sflag:s22], s20  }
0x9f: {  	s4 =	ssub.s32 $0x0, s20;
	[sflag:s22] =	ssyncset.done $0x0  }
0xa0: {  	[sflag:s22] =	ssyncadd.s32 s4;
	_ =	sdelay $0x1  }
0xa1: {  	s23 =	simm.s32 $0x1B8B  }
0xa2: {  	_ =	swait.ge [sflag:s23], $0x1  }
0xa3: {  	[sflag:s23] =	ssyncset.done $0x0  }
0xa4: {  	s25 =	simm.s32 $0x1B8E;
	s24 =	sld [smem:$0x3FFE];
	[sflag:s23] =	ssyncadd.s32 $0xFFFFFFFF  }
0xa5: {  	s26 =	simm.s32 $execute0_lowered;
	[smem:$0x3FD2] =	sst s25  }
0xa6: {  	s5 =	sshll.u32 s26, $0x1;
	_ =	strace $0x8000004C;
	[dreg:$0x1] =	wrdreg $0xFFFFFFFF  }
0xa7: {  	s28 =	simm.s32 $_size_execute0_lowered;
	s3 =	sadd.s32 s3, s5;
	[dreg:$0x0] =	wrdreg $0x0  }
0xa8: {  	s5 =	sshll.u32 s28, $0x1;
	[dreg:$0x2] =	wrdreg s3  }
0xa9: {  	[dreg:$0x3] =	wrdreg s5  }
0xaa: {  	[dreg:$0x4] =	wrdreg $0xC0  }
0xab: {  	_ =	task [dreg:s7], $0x5FFFF  }
0xac: {  	[dreg:$0x1] =	wrdreg $0xFFFFFFFF  }
0xad: {  	[dreg:$0x0] =	wrdreg $0x60  }
0xae: {  	[dreg:$0x2] =	wrdreg s2  }
0xaf: {  	[dreg:$0x3] =	wrdreg s24  }
0xb0: {  	[dreg:$0x4] =	wrdreg $0xA8000  }
0xb1: {  	[dreg:$0x5] =	wrdreg $0x9  }
0xb2: {  	_ =	task.clear_ibuf [dreg:s7], $0x6FFFF;
	_ =	strace $0x9000004C  }
0xb3: {  	s29 =	simm.s32 $0x9;
	_ =	strace $0x8000004E  }
0xb4: {  	_ =	swait.ge [sflag:s29], $0x1  }
0xb5: {  	[sflag:s29] =	ssyncadd.s32 $0xFFFFFFFF  }
0xb6: {  	_ =	strace $0x9000004E  }
0xb7: {  	_ =	sfence  }
0xb8: {  	s30 =	sld [smem:$0x0];
	_ =	sdelay $0x2  }
0xb9: {  	s31 =	sshll.u32 s1, $0xD;
	s1 =	sshrl.u32 s1, $0x2  }
0xba: {  	s3 =	sand.u32 $0x4000, s31;
	s1 =	sadd.s32 s1, s30  }
0xbb: {  	s0 =	sor.u32 s3, s0;
	s1 =	sshll.u32 s1, $0x11  }
0xbc: {  	s0 =	sor.u32 s1, s0  }
0xbd: {  	s0 =	sadd.s32 $0x8F2B, s0  }
0xbe: {  	[sflag:s0] =	ssyncadd.remote.s32 $0x1  }
0xbf: {  	_ =	sfence.sel $0xFFFF  }
0xc0: {  	[dreg:$0x0] =	wrdreg $0xFFFFFFFF;
	(pc) =	sbr.abs _section_cstart, $3  }
0xc1: {  	[dreg:$0x1] =	wrdreg $0xFFFFFFFF  }
0xc2: {  	_ =	task.clear_ibuf [dreg:s7], $0x2FFFF;
	_ =	strace $0x9FFFFFFF  }
0xc3: {  	(tm) =	ssettm $0x7FFFFFFF  }
tec
execute0_lowered:
.L_overlay_start_1:
0x0: {  	(tag) =	ssettag $0x1  }
0x1: {  	s1 =	rddreg [dreg:$0x0]  }
0x2: {  	s0 =	rddreg [dreg:$0x1]  }
0x3: {  	s2 =	rddreg [dreg:$0x2]  }
0x4: {  	s3 =	srdreg.scid;
	s4 =	simm.s32 $0x0;
	s11 =	stileid.u32  }
0x5: {  	s14 =	simm.s32 $0x5;
	s19 =	simm.s32 $0x1400;
	s20 =	simm.s32 $0x80  }
0x6: {  	s28 =	simm.s32 $0x100;
	s29 =	simm.s32 $0x4;
	s30 =	simm.s32 $0x2700  }
0x7: {  	s31 =	simm.s32 $0x1380;
	s3 =	sand.u32 $0x1, s3;
	[smem:$0x7FF] =	sst s4  }
0x8: {  	s7 =	smul.u32 $0x14000, s11;
	s8 =	sadd.s32 $0xC200, s0;
	s10 =	sadd.s32 $0x2200, s0  }
0x9: {  	s5 =	sadd.s32 $0x16200, s0;
	s9 =	smul.u32 $0x50000, s11;
	s24 =	sshll.u32 s11, $0x6  }
0xa: {  	s6 =	smul.u32 $0x140000, s3;
	s21 =	ssub.s32 $0x2, s3;
	s3 =	sshll.u32 s3, $0x4  }
0xb: {  	_ =	strace $0x8000004D;
	s22 =	sshrl.u32 s21, $0x1;
	s3 =	sor.u32 s11, s3  }
0xc: {  	s23 =	sshrl.u32 s9, $0x2;
	s6 =	sadd.s32 s7, s6;
	s7 =	ssub.s32 s21, s22  }
0xd: {  	s13 =	sadd.s32 s23, s2;
	s3 =	smul.u32 $0x2800, s3;
	s21 =	simm.s32 $0x2800  }
0xe: {  	s22 =	simm.s32 $0x1;
	s23 =	simm.s32 $0x6800;
	s6 =	sshrl.u32 s6, $0x3  }
0xf: {  	s15 =	sadd.s32 $0x4000, s13;
	s16 =	sadd.s32 $0x8000, s13;
	s17 =	sadd.s32 $0xC000, s13  }
0x10: {  	s18 =	sadd.s32 $0x10000, s13;
	s12 =	smax.u32 s7, $0x1;
	s13 =	sshrl.u32 s13, $0x3  }
0x11: {  	s0 =	sadd.s32 s6, s0;
	s6 =	sor.u32 $0x1C05, s24;
	s3 =	sshrl.u32 s3, $0x3  }
0x12: {  	s15 =	sshrl.u32 s15, $0x3;
	s16 =	sshrl.u32 s16, $0x3;
	s17 =	sshrl.u32 s17, $0x3  }
0x13: {  	s18 =	sshrl.u32 s18, $0x3;
	s24 =	simm.s32 $0x2;
	s25 =	sadd.s32 s8, s3  }
0x14: {  	s26 =	sadd.s32 s10, s3;
	s3 =	sadd.s32 $0x280, s3;
	[dreg:$0x4] =	wrdreg s25  }
0x15: {  	s11 =	sadd.s32 $0x16A00, s0;
	s0 =	simm.s32 $0x2780;
	[dreg:$0x5] =	wrdreg s26  }
0x16: {  	s8 =	sadd.s32 s8, s3;
	s10 =	sadd.s32 s10, s3;
	s25 =	simm.s32 $0x1480  }
0x17: {  	s26 =	simm.s32 $0x3;
	s3 =	simm.s32 $0x0;
	[dreg:$0x6] =	wrdreg s8  }
.LBB2_1:
0x18: {  	[spmem:s13], [sflag:s6] =	dma.local [hbm:s5], $0x800  }
0x19: {  	_ =	swait.ge [sflag:s14], $0x800  }
0x1a: {  	[sflag:s14] =	ssyncset.done $0x0  }
0x1b: {  	[sflag:s14] =	ssyncadd.s32 $0xFFFFF800  }
0x1c: {  	[spmem:s15], [sflag:s6] =	dma.local [hbm:s5], $0x800  }
0x1d: {  	_ =	swait.ge [sflag:s14], $0x800  }
0x1e: {  	[sflag:s14] =	ssyncset.done $0x0  }
0x1f: {  	[sflag:s14] =	ssyncadd.s32 $0xFFFFF800  }
0x20: {  	[spmem:s16], [sflag:s6] =	dma.local [hbm:s5], $0x800  }
0x21: {  	_ =	swait.ge [sflag:s14], $0x800  }
0x22: {  	[sflag:s14] =	ssyncset.done $0x0  }
0x23: {  	[sflag:s14] =	ssyncadd.s32 $0xFFFFF800  }
0x24: {  	[spmem:s17], [sflag:s6] =	dma.local [hbm:s5], $0x800  }
0x25: {  	_ =	swait.ge [sflag:s14], $0x800  }
0x26: {  	[sflag:s14] =	ssyncset.done $0x0  }
0x27: {  	[sflag:s14] =	ssyncadd.s32 $0xFFFFF800  }
0x28: {  	[spmem:s18], [sflag:s6] =	dma.local [hbm:s5], $0x800  }
0x29: {  	_ =	swait.ge [sflag:s14], $0x800  }
0x2a: {  	[sflag:s14] =	ssyncset.done $0x0  }
0x2b: {  	[sflag:s14] =	ssyncadd.s32 $0xFFFFF800  }
0x2c: {  	[bflag:$0x0] =	sbarrier.arrive $0xFFFF  }
0x2d: {  	s7 =	rddreg [dreg:$0x4]  }
0x2e: {  	[tilespmem:s4], [sflag:$0x5] =	stream.linear.gather [hbm4b:s7+s4], $0x1400, $0x38;
	[tilespmem:$0x1E800] =	vst v63  }
0x2f: {  	_ =	swait.ge [sflag:s14], $0x1400  }
0x30: {  	[sflag:s14] =	ssyncset.done $0x0  }
0x31: {  	s8 =	rddreg [dreg:$0x5];
	[sflag:s14] =	ssyncadd.s32 $0xFFFFEC00  }
0x32: {  	[tilespmem:s19], [sflag:$0x5] =	stream.linear.gather [hbm4b:s8+s4], $0x1400, $0x38;
	[tilespmem:$0x1E800] =	vst v63  }
0x33: {  	_ =	swait.ge [sflag:s14], $0x1400  }
0x34: {  	[sflag:s14] =	ssyncset.done $0x0  }
0x35: {  	[sflag:s14] =	ssyncadd.s32 $0xFFFFEC00  }
0x36: {  	[tilespmem:s21], [sflag:$0x1] =	stream.indirect.gather [hbm4b:s1+s20], $0x80, s4, s20, $0xb8;
	[tilespmem:$0x1E800] =	vst v63  }
0x37: {  	_ =	swait.ge [sflag:s22], $0x4000  }
0x38: {  	[sflag:s22] =	ssyncset.done $0x0  }
0x39: {  	[sflag:s22] =	ssyncadd.s32 $0xFFFFC000  }
0x3a: {  	[spmem:s2] =	stream.indirect.scatter.add.f32 [tilespmem:s21], [sflag:$0x3], $0x80, s19, s20, $0xb8;
	[tilespmem:$0x1E800] =	vst v63  }
0x3b: {  	_ = 	snop  }
0x3c: {  	[tilespmem:s23], [sflag:$0x2] =	stream.indirect.gather [hbm4b:s1+s20], $0x80, s20, s20, $0xb8;
	[tilespmem:$0x1E800] =	vst v63  }
0x3d: {  	_ =	swait.ge [sflag:s24], $0x4000  }
0x3e: {  	[sflag:s24] =	ssyncset.done $0x0  }
0x3f: {  	[sflag:s24] =	ssyncadd.s32 $0xFFFFC000  }
0x40: {  	[spmem:s2] =	stream.indirect.scatter.add.f32 [tilespmem:s23], [sflag:$0x4], $0x80, s25, s20, $0xb8;
	[tilespmem:$0x1E800] =	vst v63  }
0x41: {  	_ =	swait.ge [sflag:s26], $0x4000  }
0x42: {  	[sflag:s26] =	ssyncset.done $0x0  }
0x43: {  	[sflag:s26] =	ssyncadd.s32 $0xFFFFC000  }
0x44: {  	[tilespmem:s21], [sflag:$0x1] =	stream.indirect.gather [hbm4b:s1+s20], $0x80, s28, s20, $0xb8;
	[tilespmem:$0x1E800] =	vst v63  }
0x45: {  	_ =	swait.ge [sflag:s22], $0x4000  }
0x46: {  	[sflag:s22] =	ssyncset.done $0x0  }
0x47: {  	s9 =	simm.s32 $0x1500;
	[sflag:s22] =	ssyncadd.s32 $0xFFFFC000  }
0x48: {  	[spmem:s2] =	stream.indirect.scatter.add.f32 [tilespmem:s21], [sflag:$0x3], $0x80, s9, s20, $0xb8;
	[tilespmem:$0x1E800] =	vst v63  }
0x49: {  	_ =	swait.ge [sflag:s29], $0x4000  }
0x4a: {  	[sflag:s29] =	ssyncset.done $0x0  }
0x4b: {  	s8 =	simm.s32 $0x180;
	[sflag:s29] =	ssyncadd.s32 $0xFFFFC000  }
0x4c: {  	[tilespmem:s23], [sflag:$0x2] =	stream.indirect.gather [hbm4b:s1+s20], $0x80, s8, s20, $0xb8;
	[tilespmem:$0x1E800] =	vst v63  }
0x4d: {  	_ =	swait.ge [sflag:s24], $0x4000  }
0x4e: {  	[sflag:s24] =	ssyncset.done $0x0  }
0x4f: {  	s9 =	simm.s32 $0x1580;
	[sflag:s24] =	ssyncadd.s32 $0xFFFFC000  }
0x50: {  	[spmem:s2] =	stream.indirect.scatter.add.f32 [tilespmem:s23], [sflag:$0x4], $0x80, s9, s20, $0xb8;
	[tilespmem:$0x1E800] =	vst v63  }
0x51: {  	_ =	swait.ge [sflag:s26], $0x4000  }
0x52: {  	[sflag:s26] =	ssyncset.done $0x0  }
0x53: {  	s7 =	simm.s32 $0xFFFFBC00;
	s8 =	simm.s32 $0x200;
	[sflag:s26] =	ssyncadd.s32 $0xFFFFC000  }
.LBB2_2:
0x54: {  	[tilespmem:s21], [sflag:$0x1] =	stream.indirect.gather [hbm4b:s1+s20], $0x80, s8, s20, $0xb8;
	[tilespmem:$0x1E800] =	vst v63  }
0x55: {  	s8 =	smov.u32 s7  }
0x56: {  	p0 =	sne.s32 s7, $0xFFFFFC00;
	s7 =	sadd.s32 $0x400, s7;
	_ =	swait.ge [sflag:s22], $0x4000  }
0x57: {  	s8 =	sshra.s32 s8, $0x2;
	[sflag:s22] =	ssyncset.done $0x0  }
0x58: {  	s9 =	sadd.s32 $0x2700, s8;
	[sflag:s22] =	ssyncadd.s32 $0xFFFFC000  }
0x59: {  	[spmem:s2] =	stream.indirect.scatter.add.f32 [tilespmem:s21], [sflag:$0x3], $0x80, s9, s20, $0xb8;
	[tilespmem:$0x1E800] =	vst v63  }
0x5a: {  	_ =	swait.ge [sflag:s29], $0x4000  }
0x5b: {  	[sflag:s29] =	ssyncset.done $0x0  }
0x5c: {  	s9 =	sadd.s32 $0x1380, s8;
	[sflag:s29] =	ssyncadd.s32 $0xFFFFC000  }
0x5d: {  	[tilespmem:s23], [sflag:$0x2] =	stream.indirect.gather [hbm4b:s1+s20], $0x80, s9, s20, $0xb8;
	[tilespmem:$0x1E800] =	vst v63  }
0x5e: {  	_ =	swait.ge [sflag:s24], $0x4000  }
0x5f: {  	[sflag:s24] =	ssyncset.done $0x0  }
.Ltmp0:
0x60: {  	s9 =	sadd.s32 $0x2780, s8;
	[sflag:s24] =	ssyncadd.s32 $0xFFFFC000;
	(pc) =	sbr.rel @p0 .LBB2_2-.Ltmp0, $4  }
0x61: {  	[spmem:s2] =	stream.indirect.scatter.add.f32 [tilespmem:s23], [sflag:$0x4], $0x80, s9, s20, $0xb8;
	[tilespmem:$0x1E800] =	vst v63  }
0x62: {  	_ =	swait.ge [sflag:s26], $0x4000  }
0x63: {  	[sflag:s26] =	ssyncset.done $0x0  }
0x64: {  	s8 =	sadd.s32 $0x1400, s8;
	[sflag:s26] =	ssyncadd.s32 $0xFFFFC000  }
0x65: {  	[tilespmem:s21], [sflag:$0x1] =	stream.indirect.gather [hbm4b:s1+s20], $0x80, s8, s20, $0xb8;
	[tilespmem:$0x1E800] =	vst v63  }
0x66: {  	_ =	swait.ge [sflag:s22], $0x4000  }
0x67: {  	[sflag:s22] =	ssyncset.done $0x0  }
0x68: {  	[sflag:s22] =	ssyncadd.s32 $0xFFFFC000  }
0x69: {  	[spmem:s2] =	stream.indirect.scatter.add.f32 [tilespmem:s21], [sflag:$0x3], $0x80, s30, s20, $0xb8;
	[tilespmem:$0x1E800] =	vst v63  }
0x6a: {  	_ =	swait.ge [sflag:s29], $0x4000  }
0x6b: {  	[sflag:s29] =	ssyncset.done $0x0  }
0x6c: {  	[sflag:s29] =	ssyncadd.s32 $0xFFFFC000  }
0x6d: {  	[tilespmem:s23], [sflag:$0x2] =	stream.indirect.gather [hbm4b:s1+s20], $0x80, s31, s20, $0xb8;
	[tilespmem:$0x1E800] =	vst v63  }
0x6e: {  	_ =	swait.ge [sflag:s24], $0x4000  }
0x6f: {  	[sflag:s24] =	ssyncset.done $0x0  }
0x70: {  	[sflag:s24] =	ssyncadd.s32 $0xFFFFC000  }
0x71: {  	[spmem:s2] =	stream.indirect.scatter.add.f32 [tilespmem:s23], [sflag:$0x4], $0x80, s0, s20, $0xb8;
	[tilespmem:$0x1E800] =	vst v63  }
0x72: {  	_ =	swait.ge [sflag:s26], $0x4000  }
0x73: {  	[sflag:s26] =	ssyncset.done $0x0  }
0x74: {  	[sflag:s26] =	ssyncadd.s32 $0xFFFFC000  }
0x75: {  	[tilespmem:s21], [sflag:$0x1] =	stream.indirect.gather [hbm4b:s1+s20], $0x80, s31, s20, $0xb8;
	[tilespmem:$0x1E800] =	vst v63  }
0x76: {  	_ =	swait.ge [sflag:s29], $0x4000  }
0x77: {  	[sflag:s29] =	ssyncset.done $0x0  }
0x78: {  	[sflag:s29] =	ssyncadd.s32 $0xFFFFC000  }
0x79: {  	_ =	swait.ge [sflag:s22], $0x4000  }
0x7a: {  	[sflag:s22] =	ssyncset.done $0x0  }
0x7b: {  	s7 =	rddreg [dreg:$0x6];
	[sflag:s22] =	ssyncadd.s32 $0xFFFFC000  }
0x7c: {  	[tilespmem:s4], [sflag:$0x5] =	stream.linear.gather [hbm4b:s7+s4], $0x1400, $0x38;
	[tilespmem:$0x1E800] =	vst v63  }
0x7d: {  	_ =	swait.ge [sflag:s14], $0x1400  }
0x7e: {  	[sflag:s14] =	ssyncset.done $0x0  }
0x7f: {  	[sflag:s14] =	ssyncadd.s32 $0xFFFFEC00  }
0x80: {  	[tilespmem:s19], [sflag:$0x5] =	stream.linear.gather [hbm4b:s10+s4], $0x1400, $0x38;
	[tilespmem:$0x1E800] =	vst v63  }
0x81: {  	_ =	swait.ge [sflag:s14], $0x1400  }
0x82: {  	[sflag:s14] =	ssyncset.done $0x0  }
0x83: {  	[sflag:s14] =	ssyncadd.s32 $0xFFFFEC00  }
0x84: {  	[tilespmem:s21], [sflag:$0x1] =	stream.indirect.gather [hbm4b:s1+s20], $0x80, s4, s20, $0xb8;
	[tilespmem:$0x1E800] =	vst v63  }
0x85: {  	_ =	swait.ge [sflag:s22], $0x4000  }
0x86: {  	[sflag:s22] =	ssyncset.done $0x0  }
0x87: {  	[sflag:s22] =	ssyncadd.s32 $0xFFFFC000  }
0x88: {  	[spmem:s2] =	stream.indirect.scatter.add.f32 [tilespmem:s21], [sflag:$0x3], $0x80, s19, s20, $0xb8;
	[tilespmem:$0x1E800] =	vst v63  }
0x89: {  	_ = 	snop  }
0x8a: {  	[tilespmem:s23], [sflag:$0x2] =	stream.indirect.gather [hbm4b:s1+s20], $0x80, s20, s20, $0xb8;
	[tilespmem:$0x1E800] =	vst v63  }
0x8b: {  	_ =	swait.ge [sflag:s24], $0x4000  }
0x8c: {  	[sflag:s24] =	ssyncset.done $0x0  }
0x8d: {  	[sflag:s24] =	ssyncadd.s32 $0xFFFFC000  }
0x8e: {  	[spmem:s2] =	stream.indirect.scatter.add.f32 [tilespmem:s23], [sflag:$0x4], $0x80, s25, s20, $0xb8;
	[tilespmem:$0x1E800] =	vst v63  }
0x8f: {  	_ =	swait.ge [sflag:s26], $0x4000  }
0x90: {  	[sflag:s26] =	ssyncset.done $0x0  }
0x91: {  	[sflag:s26] =	ssyncadd.s32 $0xFFFFC000  }
0x92: {  	[tilespmem:s21], [sflag:$0x1] =	stream.indirect.gather [hbm4b:s1+s20], $0x80, s28, s20, $0xb8;
	[tilespmem:$0x1E800] =	vst v63  }
0x93: {  	_ =	swait.ge [sflag:s22], $0x4000  }
0x94: {  	[sflag:s22] =	ssyncset.done $0x0  }
0x95: {  	s9 =	simm.s32 $0x1500;
	[sflag:s22] =	ssyncadd.s32 $0xFFFFC000  }
0x96: {  	[spmem:s2] =	stream.indirect.scatter.add.f32 [tilespmem:s21], [sflag:$0x3], $0x80, s9, s20, $0xb8;
	[tilespmem:$0x1E800] =	vst v63  }
0x97: {  	_ =	swait.ge [sflag:s29], $0x4000  }
0x98: {  	[sflag:s29] =	ssyncset.done $0x0  }
0x99: {  	s8 =	simm.s32 $0x180;
	[sflag:s29] =	ssyncadd.s32 $0xFFFFC000  }
0x9a: {  	[tilespmem:s23], [sflag:$0x2] =	stream.indirect.gather [hbm4b:s1+s20], $0x80, s8, s20, $0xb8;
	[tilespmem:$0x1E800] =	vst v63  }
0x9b: {  	_ =	swait.ge [sflag:s24], $0x4000  }
0x9c: {  	[sflag:s24] =	ssyncset.done $0x0  }
0x9d: {  	s9 =	simm.s32 $0x1580;
	[sflag:s24] =	ssyncadd.s32 $0xFFFFC000  }
0x9e: {  	[spmem:s2] =	stream.indirect.scatter.add.f32 [tilespmem:s23], [sflag:$0x4], $0x80, s9, s20, $0xb8;
	[tilespmem:$0x1E800] =	vst v63  }
0x9f: {  	_ =	swait.ge [sflag:s26], $0x4000  }
0xa0: {  	[sflag:s26] =	ssyncset.done $0x0  }
0xa1: {  	s7 =	simm.s32 $0xFFFFBC00;
	s8 =	simm.s32 $0x200;
	[sflag:s26] =	ssyncadd.s32 $0xFFFFC000  }
.LBB2_4:
0xa2: {  	[tilespmem:s21], [sflag:$0x1] =	stream.indirect.gather [hbm4b:s1+s20], $0x80, s8, s20, $0xb8;
	[tilespmem:$0x1E800] =	vst v63  }
0xa3: {  	s8 =	smov.u32 s7  }
0xa4: {  	p0 =	sne.s32 s7, $0xFFFFFC00;
	s7 =	sadd.s32 $0x400, s7;
	_ =	swait.ge [sflag:s22], $0x4000  }
0xa5: {  	s8 =	sshra.s32 s8, $0x2;
	[sflag:s22] =	ssyncset.done $0x0  }
0xa6: {  	s9 =	sadd.s32 $0x2700, s8;
	[sflag:s22] =	ssyncadd.s32 $0xFFFFC000  }
0xa7: {  	[spmem:s2] =	stream.indirect.scatter.add.f32 [tilespmem:s21], [sflag:$0x3], $0x80, s9, s20, $0xb8;
	[tilespmem:$0x1E800] =	vst v63  }
0xa8: {  	_ =	swait.ge [sflag:s29], $0x4000  }
0xa9: {  	[sflag:s29] =	ssyncset.done $0x0  }
0xaa: {  	s9 =	sadd.s32 $0x1380, s8;
	[sflag:s29] =	ssyncadd.s32 $0xFFFFC000  }
0xab: {  	[tilespmem:s23], [sflag:$0x2] =	stream.indirect.gather [hbm4b:s1+s20], $0x80, s9, s20, $0xb8;
	[tilespmem:$0x1E800] =	vst v63  }
0xac: {  	_ =	swait.ge [sflag:s24], $0x4000  }
0xad: {  	[sflag:s24] =	ssyncset.done $0x0  }
.Ltmp1:
0xae: {  	s9 =	sadd.s32 $0x2780, s8;
	[sflag:s24] =	ssyncadd.s32 $0xFFFFC000;
	(pc) =	sbr.rel @p0 .LBB2_4-.Ltmp1, $4  }
0xaf: {  	[spmem:s2] =	stream.indirect.scatter.add.f32 [tilespmem:s23], [sflag:$0x4], $0x80, s9, s20, $0xb8;
	[tilespmem:$0x1E800] =	vst v63  }
0xb0: {  	_ =	swait.ge [sflag:s26], $0x4000  }
0xb1: {  	[sflag:s26] =	ssyncset.done $0x0  }
0xb2: {  	s8 =	sadd.s32 $0x1400, s8;
	[sflag:s26] =	ssyncadd.s32 $0xFFFFC000  }
0xb3: {  	[tilespmem:s21], [sflag:$0x1] =	stream.indirect.gather [hbm4b:s1+s20], $0x80, s8, s20, $0xb8;
	[tilespmem:$0x1E800] =	vst v63  }
0xb4: {  	_ =	swait.ge [sflag:s22], $0x4000  }
0xb5: {  	[sflag:s22] =	ssyncset.done $0x0  }
0xb6: {  	[sflag:s22] =	ssyncadd.s32 $0xFFFFC000  }
0xb7: {  	[spmem:s2] =	stream.indirect.scatter.add.f32 [tilespmem:s21], [sflag:$0x3], $0x80, s30, s20, $0xb8;
	[tilespmem:$0x1E800] =	vst v63  }
0xb8: {  	_ =	swait.ge [sflag:s29], $0x4000  }
0xb9: {  	[sflag:s29] =	ssyncset.done $0x0  }
0xba: {  	[sflag:s29] =	ssyncadd.s32 $0xFFFFC000  }
0xbb: {  	[tilespmem:s23], [sflag:$0x2] =	stream.indirect.gather [hbm4b:s1+s20], $0x80, s31, s20, $0xb8;
	[tilespmem:$0x1E800] =	vst v63  }
0xbc: {  	_ =	swait.ge [sflag:s24], $0x4000  }
0xbd: {  	[sflag:s24] =	ssyncset.done $0x0  }
0xbe: {  	[sflag:s24] =	ssyncadd.s32 $0xFFFFC000  }
0xbf: {  	[spmem:s2] =	stream.indirect.scatter.add.f32 [tilespmem:s23], [sflag:$0x4], $0x80, s0, s20, $0xb8;
	[tilespmem:$0x1E800] =	vst v63  }
0xc0: {  	_ =	swait.ge [sflag:s26], $0x4000  }
0xc1: {  	[sflag:s26] =	ssyncset.done $0x0  }
0xc2: {  	[sflag:s26] =	ssyncadd.s32 $0xFFFFC000  }
0xc3: {  	[tilespmem:s21], [sflag:$0x1] =	stream.indirect.gather [hbm4b:s1+s20], $0x80, s31, s20, $0xb8;
	[tilespmem:$0x1E800] =	vst v63  }
0xc4: {  	_ =	swait.ge [sflag:s29], $0x4000  }
0xc5: {  	[sflag:s29] =	ssyncset.done $0x0  }
0xc6: {  	[sflag:s29] =	ssyncadd.s32 $0xFFFFC000  }
0xc7: {  	_ =	swait.ge [sflag:s22], $0x4000  }
0xc8: {  	s3 =	sadd.s32 $0x1, s3;
	[sflag:s22] =	ssyncset.done $0x0  }
0xc9: {  	p0 =	sne.s32 s3, s12;
	[sflag:s22] =	ssyncadd.s32 $0xFFFFC000  }
.Ltmp2:
0xca: {  	[bflag:$0x0] =	sbarrier.arrive $0xFFFF;
	(pc) =	sbr.rel @p0 .LBB2_1-.Ltmp2, $4  }
0xcb: {  	[hbm:s11], [sflag:s6] =	dma.local [spmem:s13], $0x2800  }
0xcc: {  	_ =	swait.ge [sflag:s14], $0x2800  }
0xcd: {  	[sflag:s14] =	ssyncset.done $0x0  }
0xce: {  	[sflag:s14] =	ssyncadd.s32 $0xFFFFD800  }
0xcf: {  	_ =	sfence.sel $0x180000  }
0xd0: {  	[bflag:$0x0] =	sbarrier.arrive $0xFFFF  }
0xd1: {  	_ =	strace $0x9000004D  }
0xd2: {  	s0 =	stileid.u32;
	[bflag:$0x2] =	sbarrier.arrive $0xFFFF  }
0xd3: {  	p0 =	sne.s32 s0, $0x0;
	s0 =	rddreg [dreg:$0x3]  }
0xd4: {  	s0 =	sadd.s32 @!p0 $0x100000, s0  }
0xd5: {  	[sflag:s0] =	ssyncadd.tile.s32 @!p0 $0x1;
	_ =	shalt  }
.Lfunc_end2:
_tile_overlayer_lowered:
.L_overlay_start_2:
0xd6: {  	(tag) =	ssettag $0x2  }
0xd7: {  	s0 =	rddreg [dreg:$0x0];
	s2 =	stileid.u32  }
0xd8: {  	s1 =	rddreg [dreg:$0x1];
	p0 =	sne.s32 s2, $0x0  }
0xd9: {  	s3 =	rddreg [dreg:$0x2];
	[bflag:$0x3] =	sbarrier.arrive $0xFFFF;
	s2 =	simm.s32 @!p0 $0x1C05  }
0xda: {  	[timem:s3], [sflag:s2] =	dma.local @!p0 [hbm:s0], s1  }
0xdb: {  	s0 =	simm.s32 @!p0 $0x5  }
0xdc: {  	_ =	swait.ge @!p0 [sflag:s0], s1  }
0xdd: {  	s1 =	ssub.s32 @!p0 $0x0, s1;
	[sflag:s0] =	ssyncset.done @!p0 $0x0  }
0xde: {  	[sflag:s0] =	ssyncadd.s32 @!p0 s1  }
0xdf: {  	[bflag:$0x3] =	sbarrier.arrive $0xFFFF  }
0xe0: {  	_ =	shalt  }

// kernel: kernel.8.cloned.1.call-start
scs
__scs_entry_jumppad:
0x0: {  	(pc) =	sbr.rel $0x88, $3  }
0x1: {  	(tag) =	ssettag $0x0;
	lr =	simm.s32 $0x1  }
0x2: {  	[smem:$0x3F9B] =	sst lr;
	_ =	strace $0xD0000000  }
0x3: {  	_ = 	snop  }
0x4: {  	_ = 	snop  }
0x5: {  	_ = 	snop  }
0x6: {  	_ = 	snop  }
0x7: {  	_ = 	snop  }
__scs_overlays_trampoline_lowered:
0x8: {  	[smem:$0x3FAA] =	sst s0  }
0x9: {  	[smem:$0x3FAB] =	sst s1  }
0xa: {  	[smem:$0x3FAC] =	sst s2  }
0xb: {  	[smem:$0x3FAD] =	sst s3  }
0xc: {  	[smem:$0x3FAE] =	sst s4  }
0xd: {  	[smem:$0x3FAF] =	sst s5  }
0xe: {  	[smem:$0x3FB0] =	sst s6  }
0xf: {  	[smem:$0x3FB1] =	sst s7  }
0x10: {  	[smem:$0x3FB2] =	sst s8  }
0x11: {  	[smem:$0x3FB3] =	sst s9;
	s0 =	simm.s32 @!p0 $0x0  }
0x12: {  	s1 =	sld [smem:$0x3F99];
	s0 =	simm.s32 @p0 $0x1  }
0x13: {  	[smem:$0x3FB4] =	sst s0;
	s0 =	simm.s32 @!p1 $0x0  }
0x14: {  	s2 =	sld [smem:$0x3F98];
	s0 =	simm.s32 @p1 $0x1  }
0x15: {  	[smem:$0x3FB5] =	sst s0;
	s0 =	simm.s32 @!p2 $0x0  }
0x16: {  	s3 =	sld [smem:$0x3FDB];
	s0 =	simm.s32 @p2 $0x1  }
0x17: {  	s4 =	simm.s32 $0x1BF5;
	[smem:$0x3FB7] =	sst s0  }
0x18: {  	s0 =	sld [smem:$0x3F9A];
	_ =	swait.ge [sflag:s4], $0x0  }
0x19: {  	s7 =	sld [smem:$0x3F9B]  }
0x1a: {  	s8 =	sadd.s32 $0xFFFFE003, lr  }
0x1b: {  	s9 =	sadd.s32 $0xFFFFFEF7, lr;
	s5 =	simm.s32 $0xFFFFFFFF;
	p2 =	slt.u32 s8, $0xFFFFF086  }
0x1c: {  	p1 =	slt.u32 s9, $0xF7A;
	s5 =	simm.s32 @!p2 $0x0  }
0x1d: {  	s5 =	simm.s32 @p1 $0x1;
	p0 =	seq.s32 s7, s2  }
0x1e: {  	s7 =	smul.u32 @!p0 $0xF7A, s2;
	p2 =	seq.s32 @!p0 s5, $0x0  }
0x1f: {  	s9 =	smul.u32 $0xF7A, s1;
	s8 =	simm.s32 @!p0 $0x1BF5;
	p2 =	por !p2, p0  }
0x20: {  	[sflag:s8] =	ssyncset.s32 @!p0 $0xFFFFF086;
	s6 =	sadd.s32 @!p0 s3, s7;
	s7 =	simm.s32 @!p0 $0x108  }
0x21: {  	s3 =	sadd.s32 s3, s9;
	s6 =	sadd.s32 @!p0 $0x88, s6;
	s7 =	simm.s32 @p2 $0x1082  }
0x22: {  	[simem:s7], [sflag:s8] =	dma.local @!p0 [hbm:s6], $0xF7A  }
0x23: {  	s9 =	sor.u32 $0xD0000000, s2;
	s6 =	simm.s32 $0x108;
	_ =	swait.ge @!p0 [sflag:s8], $0x0  }
0x24: {  	s3 =	sadd.s32 $0x88, s3;
	s6 =	simm.s32 @!p1 $0x1082;
	[sflag:s4] =	ssyncset.s32 $0xFFFFF086  }
0x25: {  	[simem:s6], [sflag:s4] =	dma.local [hbm:s3], $0xF7A  }
0x26: {  	[smem:$0x3F9B] =	sst s1;
	(tag) =	ssettag s2;
	_ =	strace s9  }
0x27: {  	s1 =	sld [smem:$0x3FAB]  }
0x28: {  	s2 =	sld [smem:$0x3FAC]  }
0x29: {  	s4 =	sld [smem:$0x3FAE]  }
0x2a: {  	p0 =	seq.s32 s5, $0x0;
	s5 =	sld [smem:$0x3FAF]  }
0x2b: {  	s6 =	sld [smem:$0x3FB0]  }
0x2c: {  	s7 =	sld [smem:$0x3FB1]  }
0x2d: {  	s3 =	simm.s32 $0x108;
	s8 =	sld [smem:$0x3FB2]  }
0x2e: {  	s3 =	simm.s32 @!p0 $0x1082;
	s9 =	sld [smem:$0x3FB3]  }
0x2f: {  	lr =	sadd.s32 s0, s3;
	s0 =	sld [smem:$0x3FAA]  }
0x30: {  	s3 =	sld [smem:$0x3FAD]  }
0x31: {  	[smem:$0x3FB6] =	sst s10  }
0x32: {  	s10 =	sld [smem:$0x3FB4];
	_ =	sdelay $0x3  }
0x33: {  	p0 =	seq.s32 s10, $0x1;
	s10 =	sld [smem:$0x3FB6];
	_ =	sdelay $0x3  }
0x34: {  	[smem:$0x3FB6] =	sst s10  }
0x35: {  	s10 =	sld [smem:$0x3FB5];
	_ =	sdelay $0x3  }
0x36: {  	p1 =	seq.s32 s10, $0x1;
	s10 =	sld [smem:$0x3FB6];
	_ =	sdelay $0x3  }
0x37: {  	[smem:$0x3FB6] =	sst s10  }
0x38: {  	s10 =	sld [smem:$0x3FB7]  }
0x39: {  	_ = 	snop;
	(pc) =	sbr.ind lr, $3  }
0x3a: {  	_ = 	snop  }
0x3b: {  	_ = 	snop  }
0x3c: {  	p2 =	seq.s32 s10, $0x1;
	s10 =	sld [smem:$0x3FB6]  }
0x3d: {  	_ =	shalt  }
0x3e: {  	_ =	shalt  }
0x3f: {  	_ =	shalt  }
0x40: {  	_ =	shalt  }
0x41: {  	_ =	shalt  }
0x42: {  	_ =	shalt  }
0x43: {  	_ =	shalt  }
0x44: {  	_ =	shalt  }
0x45: {  	_ =	shalt  }
0x46: {  	_ =	shalt  }
0x47: {  	_ =	shalt  }
0x48: {  	_ =	shalt  }
0x49: {  	_ =	shalt  }
0x4a: {  	_ =	shalt  }
0x4b: {  	_ =	shalt  }
0x4c: {  	_ =	shalt  }
0x4d: {  	_ =	shalt  }
0x4e: {  	_ =	shalt  }
0x4f: {  	_ =	shalt  }
0x50: {  	_ =	shalt  }
0x51: {  	_ =	shalt  }
0x52: {  	_ =	shalt  }
0x53: {  	_ =	shalt  }
0x54: {  	_ =	shalt  }
0x55: {  	_ =	shalt  }
0x56: {  	_ =	shalt  }
0x57: {  	_ =	shalt  }
0x58: {  	_ =	shalt  }
0x59: {  	_ =	shalt  }
0x5a: {  	_ =	shalt  }
0x5b: {  	_ =	shalt  }
0x5c: {  	_ =	shalt  }
0x5d: {  	_ =	shalt  }
0x5e: {  	_ =	shalt  }
0x5f: {  	_ =	shalt  }
0x60: {  	_ =	shalt  }
0x61: {  	_ =	shalt  }
0x62: {  	_ =	shalt  }
0x63: {  	_ =	shalt  }
0x64: {  	_ =	shalt  }
0x65: {  	_ =	shalt  }
0x66: {  	_ =	shalt  }
0x67: {  	_ =	shalt  }
0x68: {  	_ =	shalt  }
0x69: {  	_ =	shalt  }
0x6a: {  	_ =	shalt  }
0x6b: {  	_ =	shalt  }
0x6c: {  	_ =	shalt  }
0x6d: {  	_ =	shalt  }
0x6e: {  	_ =	shalt  }
0x6f: {  	_ =	shalt  }
0x70: {  	_ =	shalt  }
0x71: {  	_ =	shalt  }
0x72: {  	_ =	shalt  }
0x73: {  	_ =	shalt  }
0x74: {  	_ =	shalt  }
0x75: {  	_ =	shalt  }
0x76: {  	_ =	shalt  }
0x77: {  	_ =	shalt  }
0x78: {  	_ =	shalt  }
0x79: {  	_ =	shalt  }
0x7a: {  	_ =	shalt  }
0x7b: {  	_ =	shalt  }
0x7c: {  	_ =	shalt  }
0x7d: {  	_ =	shalt  }
0x7e: {  	_ =	shalt  }
0x7f: {  	_ =	shalt  }
0x80: {  	_ =	shalt  }
0x81: {  	_ =	shalt  }
0x82: {  	_ =	shalt  }
0x83: {  	_ =	shalt  }
0x84: {  	_ =	shalt  }
0x85: {  	_ =	shalt  }
0x86: {  	_ =	shalt  }
0x87: {  	_ =	shalt  }
.Lfunc_end0:
.L_simem_size_0:
called_computation_lowered:
.L_overlay_start_0:
0x88: {  	s2 =	sld [smem:$0x3FD9]  }
0x89: {  	s3 =	sld [smem:$0x3FFE];
	_ =	sdelay $0x1  }
0x8a: {  	s1 =	srdreg.scid  }
0x8b: {  	s0 =	sand.u32 $0x1, s1  }
0x8c: {  	s17 =	sshll.u32 s0, $0xA;
	s2 =	sadd.s32 s3, s2  }
0x8d: {  	s2 =	sadd.s32 s2, s17  }
0x8e: {  	[smem:$0x3FC2] =	sst s2  }
0x8f: {  	_ = 	snop  }
0x90: {  	s2 =	sld [smem:$0x3FD0];
	(tm) =	ssettm $0x1  }
0x91: {  	s18 =	sld [smem:$0x3FFB];
	_ =	sdelay $0x3  }
0x92: {  	_ =	strace s18  }
0x93: {  	s3 =	sld [smem:$0x3FFC];
	_ =	sdelay $0x3  }
0x94: {  	_ =	strace s3  }
0x95: {  	s3 =	sld [smem:$0x3FFD];
	_ =	sdelay $0x3  }
0x96: {  	_ =	strace s3  }
0x97: {  	_ =	strace $0x8FFFFFFF  }
0x98: {  	s19 =	sld [smem:$0x3FDB];
	_ =	sdelay $0x1  }
0x99: {  	s4 =	simm.s32 $_scs_section_size  }
0x9a: {  	s5 =	simm.s32 $_size__tile_overlayer_lowered;
	s6 =	simm.s32 $_tile_overlayer_lowered  }
0x9b: {  	s22 =	simm.s32 $0x1BFF;
	s21 =	sshll.u32 s6, $0x1;
	s3 =	sadd.s32 s4, s19  }
0x9c: {  	s7 =	simm.s32 $0x0;
	s20 =	sshll.u32 s5, $0x1;
	s5 =	sadd.s32 s21, s3  }
0x9d: {  	[timem:s7], [sflag:s22] =	dma.local [hbm:s5], s20  }
0x9e: {  	_ =	swait.ge [sflag:s22], s20  }
0x9f: {  	s4 =	ssub.s32 $0x0, s20;
	[sflag:s22] =	ssyncset.done $0x0  }
0xa0: {  	[sflag:s22] =	ssyncadd.s32 s4;
	_ =	sdelay $0x1  }
0xa1: {  	s23 =	simm.s32 $0x1B8B  }
0xa2: {  	_ =	swait.ge [sflag:s23], $0x1  }
0xa3: {  	[sflag:s23] =	ssyncset.done $0x0  }
0xa4: {  	s25 =	simm.s32 $0x1B8E;
	s24 =	sld [smem:$0x3FFE];
	[sflag:s23] =	ssyncadd.s32 $0xFFFFFFFF  }
0xa5: {  	s26 =	simm.s32 $execute0_lowered;
	[smem:$0x3FD2] =	sst s25  }
0xa6: {  	s5 =	sshll.u32 s26, $0x1;
	_ =	strace $0x80000046;
	[dreg:$0x1] =	wrdreg $0xFFFFFFFF  }
0xa7: {  	s28 =	simm.s32 $_size_execute0_lowered;
	s3 =	sadd.s32 s3, s5;
	[dreg:$0x0] =	wrdreg $0x0  }
0xa8: {  	s5 =	sshll.u32 s28, $0x1;
	[dreg:$0x2] =	wrdreg s3  }
0xa9: {  	[dreg:$0x3] =	wrdreg s5  }
0xaa: {  	[dreg:$0x4] =	wrdreg $0xC0  }
0xab: {  	_ =	task [dreg:s7], $0x5FFFF  }
0xac: {  	[dreg:$0x1] =	wrdreg $0xFFFFFFFF  }
0xad: {  	[dreg:$0x0] =	wrdreg $0x60  }
0xae: {  	[dreg:$0x2] =	wrdreg s24  }
0xaf: {  	[dreg:$0x3] =	wrdreg s2  }
0xb0: {  	[dreg:$0x4] =	wrdreg $0x68000  }
0xb1: {  	[dreg:$0x5] =	wrdreg $0x9  }
0xb2: {  	_ =	task.clear_ibuf [dreg:s7], $0x6FFFF;
	_ =	strace $0x90000046  }
0xb3: {  	s29 =	simm.s32 $0x9;
	_ =	strace $0x80000048  }
0xb4: {  	_ =	swait.ge [sflag:s29], $0x1  }
0xb5: {  	[sflag:s29] =	ssyncadd.s32 $0xFFFFFFFF  }
0xb6: {  	_ =	strace $0x90000048  }
0xb7: {  	_ =	sfence  }
0xb8: {  	s30 =	sld [smem:$0x0];
	_ =	sdelay $0x2  }
0xb9: {  	s31 =	sshll.u32 s1, $0xD;
	s1 =	sshrl.u32 s1, $0x2  }
0xba: {  	s3 =	sand.u32 $0x4000, s31;
	s1 =	sadd.s32 s1, s30  }
0xbb: {  	s0 =	sor.u32 s3, s0;
	s1 =	sshll.u32 s1, $0x11  }
0xbc: {  	s0 =	sor.u32 s1, s0  }
0xbd: {  	s0 =	sadd.s32 $0x8F2B, s0  }
0xbe: {  	[sflag:s0] =	ssyncadd.remote.s32 $0x1  }
0xbf: {  	_ =	sfence.sel $0xFFFF  }
0xc0: {  	[dreg:$0x0] =	wrdreg $0xFFFFFFFF;
	(pc) =	sbr.abs _section_cstart, $3  }
0xc1: {  	[dreg:$0x1] =	wrdreg $0xFFFFFFFF  }
0xc2: {  	_ =	task.clear_ibuf [dreg:s7], $0x2FFFF;
	_ =	strace $0x9FFFFFFF  }
0xc3: {  	(tm) =	ssettm $0x7FFFFFFF  }
tec
execute0_lowered:
.L_overlay_start_1:
0x0: {  	(tag) =	ssettag $0x1  }
0x1: {  	s7 =	rddreg [dreg:$0x0]  }
0x2: {  	s2 =	rddreg [dreg:$0x1]  }
0x3: {  	s0 =	srdreg.scid;
	s3 =	rddreg [dreg:$0x2];
	s4 =	simm.s32 $0x0  }
0x4: {  	s17 =	simm.s32 $0x80;
	s18 =	simm.s32 $0x100;
	s6 =	sand.u32 $0x1, s0  }
0x5: {  	s19 =	simm.s32 $0x180;
	s0 =	stileid.u32;
	s8 =	smul.u32 $0x140000, s6  }
0x6: {  	s20 =	simm.s32 $0x1;
	s21 =	simm.s32 $0x0;
	s9 =	smul.u32 $0x14000, s0  }
0x7: {  	[smem:$0x7FF] =	sst s4;
	s1 =	sshll.u32 s6, $0x4;
	s11 =	smul.u32 $0x50000, s0  }
0x8: {  	s6 =	ssub.s32 $0x2, s6;
	s31 =	sshll.u32 s0, $0x6;
	s1 =	sor.u32 s0, s1  }
0x9: {  	s29 =	sshrl.u32 s6, $0x1;
	s5 =	smul.u32 $0x500, s1;
	s1 =	rddreg [dreg:$0x3]  }
0xa: {  	_ =	strace $0x80000047;
	s8 =	sadd.s32 s9, s8;
	s11 =	sshrl.u32 s11, $0x2  }
0xb: {  	s30 =	ssub.s32 s6, s29;
	s9 =	simm.s32 $0x2800;
	s8 =	sshrl.u32 s8, $0x3  }
0xc: {  	s12 =	sadd.s32 s11, s3;
	s11 =	sor.u32 $0x1C02, s31;
	s10 =	sadd.s32 s5, s7  }
0xd: {  	s5 =	sadd.s32 $0x16200, s7;
	s7 =	sadd.s32 s8, s7;
	s13 =	sadd.s32 $0x4000, s12  }
0xe: {  	s14 =	sadd.s32 $0x8000, s12;
	s15 =	sadd.s32 $0xC000, s12;
	s16 =	sadd.s32 $0x10000, s12  }
0xf: {  	s8 =	smax.u32 s30, $0x1;
	s12 =	sshrl.u32 s12, $0x3;
	s6 =	sadd.s32 $0x2200, s10  }
0x10: {  	s7 =	sadd.s32 $0x16A00, s7;
	s10 =	simm.s32 $0x2;
	s13 =	sshrl.u32 s13, $0x3  }
0x11: {  	s14 =	sshrl.u32 s14, $0x3;
	s15 =	sshrl.u32 s15, $0x3;
	s16 =	sshrl.u32 s16, $0x3  }
.LBB2_1:
0x12: {  	[tilespmem:s9], [sflag:$0x2] =	stream.linear.gather [hbm4b:s2+s4], $0x4000, $0x38;
	[tilespmem:$0x1A800] =	vst v63  }
0x13: {  	_ =	swait.ge [sflag:s10], $0x4000  }
0x14: {  	[sflag:s10] =	ssyncset.done $0x0  }
0x15: {  	[sflag:s10] =	ssyncadd.s32 $0xFFFFC000  }
0x16: {  	[spmem:s12], [sflag:s11] =	dma.local [hbm:s5], $0x800  }
0x17: {  	_ =	swait.ge [sflag:s10], $0x800  }
0x18: {  	[sflag:s10] =	ssyncset.done $0x0  }
0x19: {  	[sflag:s10] =	ssyncadd.s32 $0xFFFFF800  }
0x1a: {  	[spmem:s13], [sflag:s11] =	dma.local [hbm:s5], $0x800  }
0x1b: {  	_ =	swait.ge [sflag:s10], $0x800  }
0x1c: {  	[sflag:s10] =	ssyncset.done $0x0  }
0x1d: {  	[sflag:s10] =	ssyncadd.s32 $0xFFFFF800  }
0x1e: {  	[spmem:s14], [sflag:s11] =	dma.local [hbm:s5], $0x800  }
0x1f: {  	_ =	swait.ge [sflag:s10], $0x800  }
0x20: {  	[sflag:s10] =	ssyncset.done $0x0  }
0x21: {  	[sflag:s10] =	ssyncadd.s32 $0xFFFFF800  }
0x22: {  	[spmem:s15], [sflag:s11] =	dma.local [hbm:s5], $0x800  }
0x23: {  	_ =	swait.ge [sflag:s10], $0x800  }
0x24: {  	[sflag:s10] =	ssyncset.done $0x0  }
0x25: {  	[sflag:s10] =	ssyncadd.s32 $0xFFFFF800  }
0x26: {  	[spmem:s16], [sflag:s11] =	dma.local [hbm:s5], $0x800  }
0x27: {  	_ =	swait.ge [sflag:s10], $0x800  }
0x28: {  	[sflag:s10] =	ssyncset.done $0x0  }
0x29: {  	[sflag:s10] =	ssyncadd.s32 $0xFFFFF800  }
0x2a: {  	[tilespmem:s4], [sflag:$0x2] =	stream.linear.gather [hbm4b:s6+s4], $0x2800, $0x38;
	[tilespmem:$0x1A800] =	vst v63  }
0x2b: {  	_ =	swait.ge [sflag:s10], $0x2800  }
0x2c: {  	[sflag:s10] =	ssyncset.done $0x0  }
0x2d: {  	[sflag:s10] =	ssyncadd.s32 $0xFFFFD800  }
0x2e: {  	[bflag:$0x0] =	sbarrier.arrive $0xFFFF  }
0x2f: {  	[spmem:s3] =	stream.indirect.scatter.add.f32 [tilespmem:s9], [sflag:$0x1], $0x80, s4, s17, $0xb8;
	[tilespmem:$0x1A800] =	vst v63  }
0x30: {  	_ = 	snop  }
0x31: {  	[spmem:s3] =	stream.indirect.scatter.add.f32 [tilespmem:s9], [sflag:$0x1], $0x80, s17, s17, $0xb8;
	[tilespmem:$0x1A800] =	vst v63  }
0x32: {  	_ = 	snop  }
0x33: {  	[spmem:s3] =	stream.indirect.scatter.add.f32 [tilespmem:s9], [sflag:$0x1], $0x80, s18, s17, $0xb8;
	[tilespmem:$0x1A800] =	vst v63  }
0x34: {  	_ = 	snop  }
0x35: {  	[spmem:s3] =	stream.indirect.scatter.add.f32 [tilespmem:s9], [sflag:$0x1], $0x80, s19, s17, $0xb8;
	[tilespmem:$0x1A800] =	vst v63  }
0x36: {  	_ =	swait.ge [sflag:s20], $0x4000  }
0x37: {  	[sflag:s20] =	ssyncset.done $0x0  }
0x38: {  	s22 =	simm.s32 $0xA00;
	s23 =	simm.s32 $0x200;
	[sflag:s20] =	ssyncadd.s32 $0xFFFFC000  }
.LBB2_2:
0x39: {  	[spmem:s3] =	stream.indirect.scatter.add.f32 [tilespmem:s9], [sflag:$0x1], $0x80, s23, s17, $0xb8;
	[tilespmem:$0x1A800] =	vst v63  }
0x3a: {  	s23 =	smov.u32 s22;
	p0 =	sne.s32 s22, $0x9E00  }
.Ltmp0:
0x3b: {  	s22 =	sadd.s32 $0x200, s22;
	(pc) =	sbr.rel @p0 .LBB2_2-.Ltmp0, $4  }
0x3c: {  	_ = 	snop  }
0x3d: {  	_ =	swait.ge [sflag:s20], $0x4000  }
0x3e: {  	[sflag:s20] =	ssyncset.done $0x0  }
0x3f: {  	s23 =	sshra.s32 s23, $0x2;
	[sflag:s20] =	ssyncadd.s32 $0xFFFFC000  }
0x40: {  	[spmem:s3] =	stream.indirect.scatter.add.f32 [tilespmem:s9], [sflag:$0x1], $0x80, s23, s17, $0xb8;
	[tilespmem:$0x1A800] =	vst v63  }
0x41: {  	_ =	swait.ge [sflag:s20], $0x4000  }
0x42: {  	[sflag:s20] =	ssyncset.done $0x0  }
0x43: {  	[sflag:s20] =	ssyncadd.s32 $0xFFFFC000  }
0x44: {  	_ =	swait.ge [sflag:s20], $0x4000  }
0x45: {  	[sflag:s20] =	ssyncset.done $0x0  }
0x46: {  	[sflag:s20] =	ssyncadd.s32 $0xFFFFC000  }
0x47: {  	_ =	swait.ge [sflag:s20], $0x4000  }
0x48: {  	[sflag:s20] =	ssyncset.done $0x0  }
0x49: {  	[sflag:s20] =	ssyncadd.s32 $0xFFFFC000  }
0x4a: {  	_ =	swait.ge [sflag:s20], $0x4000  }
0x4b: {  	s21 =	sadd.s32 $0x1, s21;
	[sflag:s20] =	ssyncset.done $0x0  }
0x4c: {  	p0 =	sne.s32 s21, s8;
	[sflag:s20] =	ssyncadd.s32 $0xFFFFC000  }
.Ltmp1:
0x4d: {  	[bflag:$0x0] =	sbarrier.arrive $0xFFFF;
	(pc) =	sbr.rel @p0 .LBB2_1-.Ltmp1, $4  }
0x4e: {  	[hbm:s7], [sflag:s11] =	dma.local [spmem:s12], $0x2800  }
0x4f: {  	_ =	swait.ge [sflag:s10], $0x2800  }
0x50: {  	[sflag:s10] =	ssyncset.done $0x0  }
0x51: {  	[sflag:s10] =	ssyncadd.s32 $0xFFFFD800  }
0x52: {  	_ =	sfence.sel $0x180000  }
0x53: {  	[bflag:$0x0] =	sbarrier.arrive $0xFFFF  }
0x54: {  	p0 =	sne.s32 s0, $0x0;
	_ =	strace $0x90000047  }
0x55: {  	s0 =	sadd.s32 @!p0 $0x100000, s1;
	[bflag:$0x2] =	sbarrier.arrive $0xFFFF  }
0x56: {  	[sflag:s0] =	ssyncadd.tile.s32 @!p0 $0x1;
	_ =	shalt  }
.Lfunc_end2:
_tile_overlayer_lowered:
.L_overlay_start_2:
0x57: {  	(tag) =	ssettag $0x2  }
0x58: {  	s0 =	rddreg [dreg:$0x0];
	s2 =	stileid.u32  }
0x59: {  	s1 =	rddreg [dreg:$0x1];
	p0 =	sne.s32 s2, $0x0  }
0x5a: {  	s3 =	rddreg [dreg:$0x2];
	[bflag:$0x3] =	sbarrier.arrive $0xFFFF;
	s2 =	simm.s32 @!p0 $0x1C02  }
0x5b: {  	[timem:s3], [sflag:s2] =	dma.local @!p0 [hbm:s0], s1  }
0x5c: {  	s0 =	simm.s32 @!p0 $0x2  }
0x5d: {  	_ =	swait.ge @!p0 [sflag:s0], s1  }
0x5e: {  	s1 =	ssub.s32 @!p0 $0x0, s1;
	[sflag:s0] =	ssyncset.done @!p0 $0x0  }
0x5f: {  	[sflag:s0] =	ssyncadd.s32 @!p0 s1  }
0x60: {  	[bflag:$0x3] =	sbarrier.arrive $0xFFFF  }
0x61: {  	_ =	shalt  }

</sc_bundles>
